<compile_context>
chip_gen: v7x
topology: tpu7x:2x2x1
jax: 0.10.2.dev20260603
libtpu: 0.0.44.dev20260713+nightly
codegen_flags: <defaults>
</compile_context>

<pallas_src>
import functools

import jax
import jax.numpy as jnp
from jax import lax
from jax.experimental import pallas as pl
from jax.experimental.pallas import tpu as pltpu
from jax.experimental.pallas import tpu_sc as plsc

D = 128
V = 98
VP = 104
S = 32
L = 16
NC = 2
NS = 16
NW = NC * NS
B = 16384
TOK = B * S
R = TOK // NW // 128


def _mesh():
    return plsc.VectorSubcoreMesh(
        core_axis_name="c", subcore_axis_name="s", num_cores=NC, num_subcores=NS
    )


def _pos_encoding():
    positions = jnp.arange(S, dtype=jnp.float32)
    power_values = jnp.power(
        1000.0, 2.0 * jnp.arange(0, D, 2, dtype=jnp.float32) / D
    )
    angle = positions[:, None] / power_values[None, :]
    pe = jnp.zeros((S, D), dtype=jnp.float32)
    pe = pe.at[:, 0::2].set(jnp.sin(angle))
    pe = pe.at[:, 1::2].set(jnp.cos(angle))
    return pe


def _embed(x2, W, pe):

    @functools.partial(
        pl.kernel,
        out_type=jax.ShapeDtypeStruct((TOK, D), jnp.float32),
        mesh=_mesh(),
        scratch_types=[
            pltpu.VMEM_SHARED((S * VP, D), jnp.float32),
            pltpu.VMEM((VP, D), jnp.float32),
            pltpu.VMEM((S, D), jnp.float32),
            pltpu.VMEM((R, 128), jnp.int32),
            pltpu.VMEM((8, 64, D), jnp.float32),
            pltpu.SemaphoreType.DMA,
            pltpu.SemaphoreType.DMA,
            pltpu.SemaphoreType.DMA,
            pltpu.SemaphoreType.DMA,
            pltpu.SemaphoreType.DMA,
        ],
    )
    def k(x_hbm, w_hbm, pe_hbm, out_hbm, tsh, tb, pev, xi, data,
          gsem, wsem, xsem, lsem, tsem):
        cid = lax.axis_index("c")
        sid = lax.axis_index("s")
        wid = sid * NC + cid

        cp_x = pltpu.async_copy(x_hbm.at[pl.ds(wid * R, R)], xi, xsem)
        cp_pe = pltpu.async_copy(pe_hbm, pev, lsem)
        cp_w = pltpu.async_copy(w_hbm, tb.at[pl.ds(0, V)], lsem)
        cp_pe.wait()
        cp_w.wait()
        s0 = sid
        s1 = sid + NS

        @pl.loop(0, V)
        def _(r):
            for c in range(D // L):
                sl = pl.ds(c * L, L)
                tb[r, sl] = tb[r, sl] + pev[s0, sl]

        pltpu.sync_copy(tb, tsh.at[pl.ds(s0 * VP, VP)])
        cp_w = pltpu.async_copy(w_hbm, tb.at[pl.ds(0, V)], lsem)
        cp_w.wait()

        @pl.loop(0, V)
        def _(r):
            for c in range(D // L):
                sl = pl.ds(c * L, L)
                tb[r, sl] = tb[r, sl] + pev[s1, sl]

        pltpu.async_copy(tb, tsh.at[pl.ds(s1 * VP, VP)], tsem)

        cp_x.wait()
        iota = lax.broadcasted_iota(jnp.int32, (L,), 0)
        e0 = iota * VP
        e1 = (iota + L) * VP

        @pl.loop(0, R)
        def _(p):
            for c in range(D // L):
                sl = pl.ds(c * L, L)
                xi[p, sl] = xi[p, sl] + (e0 if c % 2 == 0 else e1)

        pltpu.make_async_copy(tb, tsh.at[pl.ds(s1 * VP, VP)], tsem).wait()

        plsc.subcore_barrier()

        outbase = wid * (R * 128)
        NCH = 2 * R

        def g_start(row, half, b):
            idx = xi.at[row, pl.ds(half * 64, 64)]
            pltpu.async_copy(tsh.at[idx], data.at[b], gsem)

        def g_wait(row, half, b):
            idx = xi.at[row, pl.ds(half * 64, 64)]
            pltpu.make_async_copy(tsh.at[idx], data.at[b], gsem).wait()

        def w_start(k, b):
            pltpu.async_copy(
                data.at[b], out_hbm.at[pl.ds(outbase + k * 64, 64)], wsem
            )

        def w_wait(k, b):
            pltpu.make_async_copy(
                data.at[b], out_hbm.at[pl.ds(outbase + k * 64, 64)], wsem
            ).wait()

        for j in range(4):
            g_start(j // 2, j % 2, j)
        for k in range(4):
            g_wait(k // 2, k % 2, k)
            w_start(k, k)
            g_start((k + 4) // 2, k % 2, k + 4)

        @pl.loop(4, NCH - 4, step=8)
        def _(g):
            row0 = g // 2
            for b in range(8):
                k = g + b
                bb = (4 + b) % 8
                w_wait(k - 4, b % 8)
                g_start(row0 + (b + 4) // 2, b % 2, b % 8)
                g_wait(row0 + b // 2, b % 2, bb)
                w_start(k, bb)

        for j in range(4):
            k = NCH - 4 + j
            b = k % 8
            g_wait(k // 2, k % 2, b)
            w_start(k, b)
            w_wait(k - 4, (b + 4) % 8)
        for j in range(4):
            w_wait(NCH - 4 + j, (NCH - 4 + j) % 8)

    return k(x2, W, pe)


def kernel(x, start_token, end_token, W):
    del start_token, end_token
    x2 = x.reshape(TOK // 128, 128)
    out = _embed(x2, W, _pos_encoding())
    return out.reshape(B, S, D)

# --- scband reference (transcript-rebuilt; emitter-appended) ---
"""Pipeline reference for scband-character-embedding-53901839565494 (READ-ONLY COPY).

The authoritative reference and input builder live on the scoring server;
editing this copy changes nothing except your own understanding.
"""

import jax, jax.numpy as jnp
import numpy as np

D_MODEL = 128
VOCAB = 98
MAX_SEQ = 32
PAD = 0


def setup_inputs(seed: int = 0) -> dict:
    key = jax.random.key(seed)
    k1, k2 = jax.random.split(key)
    x = jax.random.randint(k1, (16384, 32), 0, VOCAB, dtype=jnp.int32)
    W = jax.random.normal(k2, (VOCAB, D_MODEL), dtype=jnp.float32)
    return {"x": x, "start_token": 0, "end_token": 0, "W": W}


def _tokenize(x, start_token, end_token):
    # Faithful to batch_tokenize: optional start/end token insertion, pad to MAX_SEQ.
    B, L = x.shape
    tok = x + (start_token + end_token) * 0
    pad_len = MAX_SEQ - tok.shape[1]
    if pad_len > 0:
        tok = jnp.concatenate([tok, jnp.full((B, pad_len), PAD, dtype=tok.dtype)], axis=1)
    return tok


def _positional_encoding(seq_len):
    # Standard sinusoidal PE with base 1000 (as in _get_angles), shape [S, D].
    positions = jnp.arange(seq_len, dtype=jnp.float32)
    power_values = jnp.power(1000.0, 2.0 * jnp.arange(0, D_MODEL, 2, dtype=jnp.float32) / D_MODEL)
    angle = positions[:, None] / power_values[None, :]  # [S, D/2]
    pe = jnp.zeros((seq_len, D_MODEL), dtype=jnp.float32)
    pe = pe.at[:, 0::2].set(jnp.sin(angle))
    pe = pe.at[:, 1::2].set(jnp.cos(angle))
    return pe


def reference(x, start_token, end_token, W):
    tok = _tokenize(x, start_token, end_token)
    x_emb = jnp.take(W, tok, axis=0)  # embedding gather [B, S, D]
    pe = _positional_encoding(tok.shape[1])
    # dropout is identity at inference
    return x_emb + pe[None, :, :]

if __name__ == "__main__":
    import jax
    _d = setup_inputs()
    print(jax.jit(kernel)(*tuple(_d.values())))

</pallas_src>

<mosaic_0001>
#map = affine_map<(d0, d1) -> (0, 0)>
module attributes {stable_mosaic.version = 14 : i64} {
  func.func @k(%arg0: i32, %arg1: i32, %arg2: memref<4096x128xi32, #tpu.memory_space<hbm>>, %arg3: memref<98x128xf32, #tpu.memory_space<hbm>>, %arg4: memref<32x128xf32, #tpu.memory_space<hbm>>, %arg5: memref<524288x128xf32, #tpu.memory_space<hbm>>, %arg6: memref<3328x128xf32, #tpu.memory_space<vmem_shared>>, %arg7: memref<104x128xf32, #tpu.memory_space<vmem>>, %arg8: memref<32x128xf32, #tpu.memory_space<vmem>>, %arg9: memref<128x128xi32, #tpu.memory_space<vmem>>, %arg10: memref<8x64x128xf32, #tpu.memory_space<vmem>>, %arg11: memref<!tpu.dma_semaphore, #tpu.memory_space<semaphore_mem>>, %arg12: memref<!tpu.dma_semaphore, #tpu.memory_space<semaphore_mem>>, %arg13: memref<!tpu.dma_semaphore, #tpu.memory_space<semaphore_mem>>, %arg14: memref<!tpu.dma_semaphore, #tpu.memory_space<semaphore_mem>>, %arg15: memref<!tpu.dma_semaphore, #tpu.memory_space<semaphore_mem>>) attributes {dimension_semantics = [#tpu.dimension_semantics<core_parallel>, #tpu.dimension_semantics<subcore_parallel>], iteration_bounds = array<i64: 2, 16>, scalar_prefetch = 0 : i64, scratch_operands = 10 : i64, tpu.core_type = #tpu.core_type<sc_vector_subcore>, window_params = [{transform_indices = #map}, {transform_indices = #map}, {transform_indices = #map}, {transform_indices = #map}]} {
    %mul3A = arith.constant 2 : i32
    %mul3A_0 = arith.muli %arg1, %mul3A : i32
    %add3A = arith.addi %mul3A_0, %arg0 : i32
    %mul3A_1 = arith.constant 128 : i32
    %mul3A_2 = arith.muli %add3A, %mul3A_1 : i32
    %dma_start3A = arith.constant 0 : i32
    %dma_start3A_3 = tpu.memref_slice %arg2[%mul3A_2, %dma_start3A] : memref<4096x128xi32, #tpu.memory_space<hbm>> -> memref<128x128xi32, #tpu.memory_space<hbm>>
    %dma_start3A_4 = arith.constant 0 : i32
    %dma_start3A_5 = tpu.memref_slice %arg2[%mul3A_2, %dma_start3A_4] : memref<4096x128xi32, #tpu.memory_space<hbm>> -> memref<128x128xi32, #tpu.memory_space<hbm>>
    tpu.enqueue_dma source(%dma_start3A_5 : memref<128x128xi32, #tpu.memory_space<hbm>>) target(%arg9 : memref<128x128xi32, #tpu.memory_space<vmem>>) target_semaphore(%arg13 : memref<!tpu.dma_semaphore, #tpu.memory_space<semaphore_mem>>)
    tpu.enqueue_dma source(%arg4 : memref<32x128xf32, #tpu.memory_space<hbm>>) target(%arg8 : memref<32x128xf32, #tpu.memory_space<vmem>>) target_semaphore(%arg14 : memref<!tpu.dma_semaphore, #tpu.memory_space<semaphore_mem>>)
    %dma_start3A_6 = arith.constant 0 : i32
    %dma_start3A_7 = arith.constant 0 : i32
    %dma_start3A_8 = tpu.memref_slice %arg7[%dma_start3A_6, %dma_start3A_7] : memref<104x128xf32, #tpu.memory_space<vmem>> -> memref<98x128xf32, #tpu.memory_space<vmem>>
    %dma_start3A_9 = arith.constant 0 : i32
    %dma_start3A_10 = arith.constant 0 : i32
    %dma_start3A_11 = tpu.memref_slice %arg7[%dma_start3A_9, %dma_start3A_10] : memref<104x128xf32, #tpu.memory_space<vmem>> -> memref<98x128xf32, #tpu.memory_space<vmem>>
    tpu.enqueue_dma source(%arg3 : memref<98x128xf32, #tpu.memory_space<hbm>>) target(%dma_start3A_11 : memref<98x128xf32, #tpu.memory_space<vmem>>) target_semaphore(%arg14 : memref<!tpu.dma_semaphore, #tpu.memory_space<semaphore_mem>>)
    tpu.wait_dma2 semaphore(%arg14 : memref<!tpu.dma_semaphore, #tpu.memory_space<semaphore_mem>>) src(%arg4 : memref<32x128xf32, #tpu.memory_space<hbm>>) dst(%arg8 : memref<32x128xf32, #tpu.memory_space<vmem>>)
    %dma_wait3A = arith.constant 0 : i32
    %dma_wait3A_12 = arith.constant 0 : i32
    %dma_wait3A_13 = tpu.memref_slice %arg7[%dma_wait3A, %dma_wait3A_12] : memref<104x128xf32, #tpu.memory_space<vmem>> -> memref<98x128xf32, #tpu.memory_space<vmem>>
    %dma_wait3A_14 = arith.constant 0 : i32
    %dma_wait3A_15 = arith.constant 0 : i32
    %dma_wait3A_16 = tpu.memref_slice %arg7[%dma_wait3A_14, %dma_wait3A_15] : memref<104x128xf32, #tpu.memory_space<vmem>> -> memref<98x128xf32, #tpu.memory_space<vmem>>
    tpu.wait_dma2 semaphore(%arg14 : memref<!tpu.dma_semaphore, #tpu.memory_space<semaphore_mem>>) src(%arg3 : memref<98x128xf32, #tpu.memory_space<hbm>>) dst(%dma_wait3A_16 : memref<98x128xf32, #tpu.memory_space<vmem>>)
    %add3A_17 = arith.constant 16 : i32
    %add3A_18 = arith.addi %arg1, %add3A_17 : i32
    %scan3A = arith.constant 0 : i32
    %scan3A_19 = arith.constant 98 : i32
    %scan3A_20 = arith.addi %scan3A, %scan3A_19 : i32
    %scan3A_21 = arith.constant 1 : i32
    scf.for %scan3A_511 = %scan3A to %scan3A_20 step %scan3A_21  : i32 {
      %mul3A_512 = arith.constant 1 : i32
      %mul3A_513 = arith.muli %scan3A_511, %mul3A_512 : i32
      %add3A_514 = arith.constant 0 : i32
      %add3A_515 = arith.addi %add3A_514, %mul3A_513 : i32
      %get3A = arith.index_cast %add3A_515 : i32 to index
      %get3A_516 = arith.constant 0 : index
      %get3A_517 = tpu.vector_load %arg7[%get3A, %get3A_516] {strides = array<i32>} : memref<104x128xf32, #tpu.memory_space<vmem>>, vector<1x16xf32>,
      %get3A_518 = vector.shape_cast %get3A_517 : vector<1x16xf32> to vector<16xf32>
      %get3A_519 = arith.index_cast %arg1 : i32 to index
      %get3A_520 = arith.constant 0 : index
      %get3A_521 = tpu.vector_load %arg8[%get3A_519, %get3A_520] {strides = array<i32>} : memref<32x128xf32, #tpu.memory_space<vmem>>, vector<1x16xf32>,
      %get3A_522 = vector.shape_cast %get3A_521 : vector<1x16xf32> to vector<16xf32>
      %add3A_523 = arith.addf %get3A_518, %get3A_522 : vector<16xf32>
      %swap3A = arith.index_cast %add3A_515 : i32 to index
      %swap3A_524 = arith.constant 0 : index
      %swap3A_525 = tpu.vector_load %arg7[%swap3A, %swap3A_524] {strides = array<i32>} : memref<104x128xf32, #tpu.memory_space<vmem>>, vector<1x16xf32>,
      %swap3A_526 = vector.shape_cast %swap3A_525 : vector<1x16xf32> to vector<16xf32>
      %swap3A_527 = vector.shape_cast %add3A_523 : vector<16xf32> to vector<1x16xf32>
      tpu.vector_store %arg7[%swap3A, %swap3A_524], %swap3A_527 {strides = array<i32>} : memref<104x128xf32, #tpu.memory_space<vmem>>, vector<1x16xf32>,
      %get3A_528 = arith.index_cast %add3A_515 : i32 to index
      %get3A_529 = arith.constant 16 : index
      %get3A_530 = tpu.vector_load %arg7[%get3A_528, %get3A_529] {strides = array<i32>} : memref<104x128xf32, #tpu.memory_space<vmem>>, vector<1x16xf32>,
      %get3A_531 = vector.shape_cast %get3A_530 : vector<1x16xf32> to vector<16xf32>
      %get3A_532 = arith.index_cast %arg1 : i32 to index
      %get3A_533 = arith.constant 16 : index
      %get3A_534 = tpu.vector_load %arg8[%get3A_532, %get3A_533] {strides = array<i32>} : memref<32x128xf32, #tpu.memory_space<vmem>>, vector<1x16xf32>,
      %get3A_535 = vector.shape_cast %get3A_534 : vector<1x16xf32> to vector<16xf32>
      %add3A_536 = arith.addf %get3A_531, %get3A_535 : vector<16xf32>
      %swap3A_537 = arith.index_cast %add3A_515 : i32 to index
      %swap3A_538 = arith.constant 16 : index
      %swap3A_539 = tpu.vector_load %arg7[%swap3A_537, %swap3A_538] {strides = array<i32>} : memref<104x128xf32, #tpu.memory_space<vmem>>, vector<1x16xf32>,
      %swap3A_540 = vector.shape_cast %swap3A_539 : vector<1x16xf32> to vector<16xf32>
      %swap3A_541 = vector.shape_cast %add3A_536 : vector<16xf32> to vector<1x16xf32>
      tpu.vector_store %arg7[%swap3A_537, %swap3A_538], %swap3A_541 {strides = array<i32>} : memref<104x128xf32, #tpu.memory_space<vmem>>, vector<1x16xf32>,
      %get3A_542 = arith.index_cast %add3A_515 : i32 to index
      %get3A_543 = arith.constant 32 : index
      %get3A_544 = tpu.vector_load %arg7[%get3A_542, %get3A_543] {strides = array<i32>} : memref<104x128xf32, #tpu.memory_space<vmem>>, vector<1x16xf32>,
      %get3A_545 = vector.shape_cast %get3A_544 : vector<1x16xf32> to vector<16xf32>
      %get3A_546 = arith.index_cast %arg1 : i32 to index
      %get3A_547 = arith.constant 32 : index
      %get3A_548 = tpu.vector_load %arg8[%get3A_546, %get3A_547] {strides = array<i32>} : memref<32x128xf32, #tpu.memory_space<vmem>>, vector<1x16xf32>,
      %get3A_549 = vector.shape_cast %get3A_548 : vector<1x16xf32> to vector<16xf32>
      %add3A_550 = arith.addf %get3A_545, %get3A_549 : vector<16xf32>
      %swap3A_551 = arith.index_cast %add3A_515 : i32 to index
      %swap3A_552 = arith.constant 32 : index
      %swap3A_553 = tpu.vector_load %arg7[%swap3A_551, %swap3A_552] {strides = array<i32>} : memref<104x128xf32, #tpu.memory_space<vmem>>, vector<1x16xf32>,
      %swap3A_554 = vector.shape_cast %swap3A_553 : vector<1x16xf32> to vector<16xf32>
      %swap3A_555 = vector.shape_cast %add3A_550 : vector<16xf32> to vector<1x16xf32>
      tpu.vector_store %arg7[%swap3A_551, %swap3A_552], %swap3A_555 {strides = array<i32>} : memref<104x128xf32, #tpu.memory_space<vmem>>, vector<1x16xf32>,
      %get3A_556 = arith.index_cast %add3A_515 : i32 to index
      %get3A_557 = arith.constant 48 : index
      %get3A_558 = tpu.vector_load %arg7[%get3A_556, %get3A_557] {strides = array<i32>} : memref<104x128xf32, #tpu.memory_space<vmem>>, vector<1x16xf32>,
      %get3A_559 = vector.shape_cast %get3A_558 : vector<1x16xf32> to vector<16xf32>
      %get3A_560 = arith.index_cast %arg1 : i32 to index
      %get3A_561 = arith.constant 48 : index
      %get3A_562 = tpu.vector_load %arg8[%get3A_560, %get3A_561] {strides = array<i32>} : memref<32x128xf32, #tpu.memory_space<vmem>>, vector<1x16xf32>,
      %get3A_563 = vector.shape_cast %get3A_562 : vector<1x16xf32> to vector<16xf32>
      %add3A_564 = arith.addf %get3A_559, %get3A_563 : vector<16xf32>
      %swap3A_565 = arith.index_cast %add3A_515 : i32 to index
      %swap3A_566 = arith.constant 48 : index
      %swap3A_567 = tpu.vector_load %arg7[%swap3A_565, %swap3A_566] {strides = array<i32>} : memref<104x128xf32, #tpu.memory_space<vmem>>, vector<1x16xf32>,
      %swap3A_568 = vector.shape_cast %swap3A_567 : vector<1x16xf32> to vector<16xf32>
      %swap3A_569 = vector.shape_cast %add3A_564 : vector<16xf32> to vector<1x16xf32>
      tpu.vector_store %arg7[%swap3A_565, %swap3A_566], %swap3A_569 {strides = array<i32>} : memref<104x128xf32, #tpu.memory_space<vmem>>, vector<1x16xf32>,
      %get3A_570 = arith.index_cast %add3A_515 : i32 to index
      %get3A_571 = arith.constant 64 : index
      %get3A_572 = tpu.vector_load %arg7[%get3A_570, %get3A_571] {strides = array<i32>} : memref<104x128xf32, #tpu.memory_space<vmem>>, vector<1x16xf32>,
      %get3A_573 = vector.shape_cast %get3A_572 : vector<1x16xf32> to vector<16xf32>
      %get3A_574 = arith.index_cast %arg1 : i32 to index
      %get3A_575 = arith.constant 64 : index
      %get3A_576 = tpu.vector_load %arg8[%get3A_574, %get3A_575] {strides = array<i32>} : memref<32x128xf32, #tpu.memory_space<vmem>>, vector<1x16xf32>,
      %get3A_577 = vector.shape_cast %get3A_576 : vector<1x16xf32> to vector<16xf32>
      %add3A_578 = arith.addf %get3A_573, %get3A_577 : vector<16xf32>
      %swap3A_579 = arith.index_cast %add3A_515 : i32 to index
      %swap3A_580 = arith.constant 64 : index
      %swap3A_581 = tpu.vector_load %arg7[%swap3A_579, %swap3A_580] {strides = array<i32>} : memref<104x128xf32, #tpu.memory_space<vmem>>, vector<1x16xf32>,
      %swap3A_582 = vector.shape_cast %swap3A_581 : vector<1x16xf32> to vector<16xf32>
      %swap3A_583 = vector.shape_cast %add3A_578 : vector<16xf32> to vector<1x16xf32>
      tpu.vector_store %arg7[%swap3A_579, %swap3A_580], %swap3A_583 {strides = array<i32>} : memref<104x128xf32, #tpu.memory_space<vmem>>, vector<1x16xf32>,
      %get3A_584 = arith.index_cast %add3A_515 : i32 to index
      %get3A_585 = arith.constant 80 : index
      %get3A_586 = tpu.vector_load %arg7[%get3A_584, %get3A_585] {strides = array<i32>} : memref<104x128xf32, #tpu.memory_space<vmem>>, vector<1x16xf32>,
      %get3A_587 = vector.shape_cast %get3A_586 : vector<1x16xf32> to vector<16xf32>
      %get3A_588 = arith.index_cast %arg1 : i32 to index
      %get3A_589 = arith.constant 80 : index
      %get3A_590 = tpu.vector_load %arg8[%get3A_588, %get3A_589] {strides = array<i32>} : memref<32x128xf32, #tpu.memory_space<vmem>>, vector<1x16xf32>,
      %get3A_591 = vector.shape_cast %get3A_590 : vector<1x16xf32> to vector<16xf32>
      %add3A_592 = arith.addf %get3A_587, %get3A_591 : vector<16xf32>
      %swap3A_593 = arith.index_cast %add3A_515 : i32 to index
      %swap3A_594 = arith.constant 80 : index
      %swap3A_595 = tpu.vector_load %arg7[%swap3A_593, %swap3A_594] {strides = array<i32>} : memref<104x128xf32, #tpu.memory_space<vmem>>, vector<1x16xf32>,
      %swap3A_596 = vector.shape_cast %swap3A_595 : vector<1x16xf32> to vector<16xf32>
      %swap3A_597 = vector.shape_cast %add3A_592 : vector<16xf32> to vector<1x16xf32>
      tpu.vector_store %arg7[%swap3A_593, %swap3A_594], %swap3A_597 {strides = array<i32>} : memref<104x128xf32, #tpu.memory_space<vmem>>, vector<1x16xf32>,
      %get3A_598 = arith.index_cast %add3A_515 : i32 to index
      %get3A_599 = arith.constant 96 : index
      %get3A_600 = tpu.vector_load %arg7[%get3A_598, %get3A_599] {strides = array<i32>} : memref<104x128xf32, #tpu.memory_space<vmem>>, vector<1x16xf32>,
      %get3A_601 = vector.shape_cast %get3A_600 : vector<1x16xf32> to vector<16xf32>
      %get3A_602 = arith.index_cast %arg1 : i32 to index
      %get3A_603 = arith.constant 96 : index
      %get3A_604 = tpu.vector_load %arg8[%get3A_602, %get3A_603] {strides = array<i32>} : memref<32x128xf32, #tpu.memory_space<vmem>>, vector<1x16xf32>,
      %get3A_605 = vector.shape_cast %get3A_604 : vector<1x16xf32> to vector<16xf32>
      %add3A_606 = arith.addf %get3A_601, %get3A_605 : vector<16xf32>
      %swap3A_607 = arith.index_cast %add3A_515 : i32 to index
      %swap3A_608 = arith.constant 96 : index
      %swap3A_609 = tpu.vector_load %arg7[%swap3A_607, %swap3A_608] {strides = array<i32>} : memref<104x128xf32, #tpu.memory_space<vmem>>, vector<1x16xf32>,
      %swap3A_610 = vector.shape_cast %swap3A_609 : vector<1x16xf32> to vector<16xf32>
      %swap3A_611 = vector.shape_cast %add3A_606 : vector<16xf32> to vector<1x16xf32>
      tpu.vector_store %arg7[%swap3A_607, %swap3A_608], %swap3A_611 {strides = array<i32>} : memref<104x128xf32, #tpu.memory_space<vmem>>, vector<1x16xf32>,
      %get3A_612 = arith.index_cast %add3A_515 : i32 to index
      %get3A_613 = arith.constant 112 : index
      %get3A_614 = tpu.vector_load %arg7[%get3A_612, %get3A_613] {strides = array<i32>} : memref<104x128xf32, #tpu.memory_space<vmem>>, vector<1x16xf32>,
      %get3A_615 = vector.shape_cast %get3A_614 : vector<1x16xf32> to vector<16xf32>
      %get3A_616 = arith.index_cast %arg1 : i32 to index
      %get3A_617 = arith.constant 112 : index
      %get3A_618 = tpu.vector_load %arg8[%get3A_616, %get3A_617] {strides = array<i32>} : memref<32x128xf32, #tpu.memory_space<vmem>>, vector<1x16xf32>,
      %get3A_619 = vector.shape_cast %get3A_618 : vector<1x16xf32> to vector<16xf32>
      %add3A_620 = arith.addf %get3A_615, %get3A_619 : vector<16xf32>
      %swap3A_621 = arith.index_cast %add3A_515 : i32 to index
      %swap3A_622 = arith.constant 112 : index
      %swap3A_623 = tpu.vector_load %arg7[%swap3A_621, %swap3A_622] {strides = array<i32>} : memref<104x128xf32, #tpu.memory_space<vmem>>, vector<1x16xf32>,
      %swap3A_624 = vector.shape_cast %swap3A_623 : vector<1x16xf32> to vector<16xf32>
      %swap3A_625 = vector.shape_cast %add3A_620 : vector<16xf32> to vector<1x16xf32>
      tpu.vector_store %arg7[%swap3A_621, %swap3A_622], %swap3A_625 {strides = array<i32>} : memref<104x128xf32, #tpu.memory_space<vmem>>, vector<1x16xf32>,
    }
    %scan3A_22 = arith.constant 98 : i32
    %mul3A_23 = arith.constant 104 : i32
    %mul3A_24 = arith.muli %arg1, %mul3A_23 : i32
    "tpu.region"() ({
      %run_scoped3A = tpu.sem_alloc : memref<!tpu.dma_semaphore, #tpu.memory_space<semaphore_mem>>
      %dma_start3A_511 = arith.constant 0 : i32
      %dma_start3A_512 = tpu.memref_slice %arg6[%mul3A_24, %dma_start3A_511] : memref<3328x128xf32, #tpu.memory_space<vmem_shared>> -> memref<104x128xf32, #tpu.memory_space<vmem_shared>>
      %dma_start3A_513 = arith.constant 0 : i32
      %dma_start3A_514 = tpu.memref_slice %arg6[%mul3A_24, %dma_start3A_513] : memref<3328x128xf32, #tpu.memory_space<vmem_shared>> -> memref<104x128xf32, #tpu.memory_space<vmem_shared>>
      tpu.enqueue_dma source(%arg7 : memref<104x128xf32, #tpu.memory_space<vmem>>) target(%dma_start3A_514 : memref<104x128xf32, #tpu.memory_space<vmem_shared>>) target_semaphore(%run_scoped3A : memref<!tpu.dma_semaphore, #tpu.memory_space<semaphore_mem>>)
      %dma_wait3A_515 = arith.constant 0 : i32
      %dma_wait3A_516 = tpu.memref_slice %arg6[%mul3A_24, %dma_wait3A_515] : memref<3328x128xf32, #tpu.memory_space<vmem_shared>> -> memref<104x128xf32, #tpu.memory_space<vmem_shared>>
      %dma_wait3A_517 = arith.constant 0 : i32
      %dma_wait3A_518 = tpu.memref_slice %arg6[%mul3A_24, %dma_wait3A_517] : memref<3328x128xf32, #tpu.memory_space<vmem_shared>> -> memref<104x128xf32, #tpu.memory_space<vmem_shared>>
      tpu.wait_dma2 semaphore(%run_scoped3A : memref<!tpu.dma_semaphore, #tpu.memory_space<semaphore_mem>>) src(%arg7 : memref<104x128xf32, #tpu.memory_space<vmem>>) dst(%dma_wait3A_518 : memref<104x128xf32, #tpu.memory_space<vmem_shared>>)
      tpu.yield
    }) : () -> ()
    %dma_start3A_25 = arith.constant 0 : i32
    %dma_start3A_26 = arith.constant 0 : i32
    %dma_start3A_27 = tpu.memref_slice %arg7[%dma_start3A_25, %dma_start3A_26] : memref<104x128xf32, #tpu.memory_space<vmem>> -> memref<98x128xf32, #tpu.memory_space<vmem>>
    %dma_start3A_28 = arith.constant 0 : i32
    %dma_start3A_29 = arith.constant 0 : i32
    %dma_start3A_30 = tpu.memref_slice %arg7[%dma_start3A_28, %dma_start3A_29] : memref<104x128xf32, #tpu.memory_space<vmem>> -> memref<98x128xf32, #tpu.memory_space<vmem>>
    tpu.enqueue_dma source(%arg3 : memref<98x128xf32, #tpu.memory_space<hbm>>) target(%dma_start3A_30 : memref<98x128xf32, #tpu.memory_space<vmem>>) target_semaphore(%arg14 : memref<!tpu.dma_semaphore, #tpu.memory_space<semaphore_mem>>)
    %dma_wait3A_31 = arith.constant 0 : i32
    %dma_wait3A_32 = arith.constant 0 : i32
    %dma_wait3A_33 = tpu.memref_slice %arg7[%dma_wait3A_31, %dma_wait3A_32] : memref<104x128xf32, #tpu.memory_space<vmem>> -> memref<98x128xf32, #tpu.memory_space<vmem>>
    %dma_wait3A_34 = arith.constant 0 : i32
    %dma_wait3A_35 = arith.constant 0 : i32
    %dma_wait3A_36 = tpu.memref_slice %arg7[%dma_wait3A_34, %dma_wait3A_35] : memref<104x128xf32, #tpu.memory_space<vmem>> -> memref<98x128xf32, #tpu.memory_space<vmem>>
    tpu.wait_dma2 semaphore(%arg14 : memref<!tpu.dma_semaphore, #tpu.memory_space<semaphore_mem>>) src(%arg3 : memref<98x128xf32, #tpu.memory_space<hbm>>) dst(%dma_wait3A_36 : memref<98x128xf32, #tpu.memory_space<vmem>>)
    %scan3A_37 = arith.constant 0 : i32
    %scan3A_38 = arith.constant 98 : i32
    %scan3A_39 = arith.addi %scan3A_37, %scan3A_38 : i32
    %scan3A_40 = arith.constant 1 : i32
    scf.for %scan3A_511 = %scan3A_37 to %scan3A_39 step %scan3A_40  : i32 {
      %mul3A_512 = arith.constant 1 : i32
      %mul3A_513 = arith.muli %scan3A_511, %mul3A_512 : i32
      %add3A_514 = arith.constant 0 : i32
      %add3A_515 = arith.addi %add3A_514, %mul3A_513 : i32
      %get3A = arith.index_cast %add3A_515 : i32 to index
      %get3A_516 = arith.constant 0 : index
      %get3A_517 = tpu.vector_load %arg7[%get3A, %get3A_516] {strides = array<i32>} : memref<104x128xf32, #tpu.memory_space<vmem>>, vector<1x16xf32>,
      %get3A_518 = vector.shape_cast %get3A_517 : vector<1x16xf32> to vector<16xf32>
      %get3A_519 = arith.index_cast %add3A_18 : i32 to index
      %get3A_520 = arith.constant 0 : index
      %get3A_521 = tpu.vector_load %arg8[%get3A_519, %get3A_520] {strides = array<i32>} : memref<32x128xf32, #tpu.memory_space<vmem>>, vector<1x16xf32>,
      %get3A_522 = vector.shape_cast %get3A_521 : vector<1x16xf32> to vector<16xf32>
      %add3A_523 = arith.addf %get3A_518, %get3A_522 : vector<16xf32>
      %swap3A = arith.index_cast %add3A_515 : i32 to index
      %swap3A_524 = arith.constant 0 : index
      %swap3A_525 = tpu.vector_load %arg7[%swap3A, %swap3A_524] {strides = array<i32>} : memref<104x128xf32, #tpu.memory_space<vmem>>, vector<1x16xf32>,
      %swap3A_526 = vector.shape_cast %swap3A_525 : vector<1x16xf32> to vector<16xf32>
      %swap3A_527 = vector.shape_cast %add3A_523 : vector<16xf32> to vector<1x16xf32>
      tpu.vector_store %arg7[%swap3A, %swap3A_524], %swap3A_527 {strides = array<i32>} : memref<104x128xf32, #tpu.memory_space<vmem>>, vector<1x16xf32>,
      %get3A_528 = arith.index_cast %add3A_515 : i32 to index
      %get3A_529 = arith.constant 16 : index
      %get3A_530 = tpu.vector_load %arg7[%get3A_528, %get3A_529] {strides = array<i32>} : memref<104x128xf32, #tpu.memory_space<vmem>>, vector<1x16xf32>,
      %get3A_531 = vector.shape_cast %get3A_530 : vector<1x16xf32> to vector<16xf32>
      %get3A_532 = arith.index_cast %add3A_18 : i32 to index
      %get3A_533 = arith.constant 16 : index
      %get3A_534 = tpu.vector_load %arg8[%get3A_532, %get3A_533] {strides = array<i32>} : memref<32x128xf32, #tpu.memory_space<vmem>>, vector<1x16xf32>,
      %get3A_535 = vector.shape_cast %get3A_534 : vector<1x16xf32> to vector<16xf32>
      %add3A_536 = arith.addf %get3A_531, %get3A_535 : vector<16xf32>
      %swap3A_537 = arith.index_cast %add3A_515 : i32 to index
      %swap3A_538 = arith.constant 16 : index
      %swap3A_539 = tpu.vector_load %arg7[%swap3A_537, %swap3A_538] {strides = array<i32>} : memref<104x128xf32, #tpu.memory_space<vmem>>, vector<1x16xf32>,
      %swap3A_540 = vector.shape_cast %swap3A_539 : vector<1x16xf32> to vector<16xf32>
      %swap3A_541 = vector.shape_cast %add3A_536 : vector<16xf32> to vector<1x16xf32>
      tpu.vector_store %arg7[%swap3A_537, %swap3A_538], %swap3A_541 {strides = array<i32>} : memref<104x128xf32, #tpu.memory_space<vmem>>, vector<1x16xf32>,
      %get3A_542 = arith.index_cast %add3A_515 : i32 to index
      %get3A_543 = arith.constant 32 : index
      %get3A_544 = tpu.vector_load %arg7[%get3A_542, %get3A_543] {strides = array<i32>} : memref<104x128xf32, #tpu.memory_space<vmem>>, vector<1x16xf32>,
      %get3A_545 = vector.shape_cast %get3A_544 : vector<1x16xf32> to vector<16xf32>
      %get3A_546 = arith.index_cast %add3A_18 : i32 to index
      %get3A_547 = arith.constant 32 : index
      %get3A_548 = tpu.vector_load %arg8[%get3A_546, %get3A_547] {strides = array<i32>} : memref<32x128xf32, #tpu.memory_space<vmem>>, vector<1x16xf32>,
      %get3A_549 = vector.shape_cast %get3A_548 : vector<1x16xf32> to vector<16xf32>
      %add3A_550 = arith.addf %get3A_545, %get3A_549 : vector<16xf32>
      %swap3A_551 = arith.index_cast %add3A_515 : i32 to index
      %swap3A_552 = arith.constant 32 : index
      %swap3A_553 = tpu.vector_load %arg7[%swap3A_551, %swap3A_552] {strides = array<i32>} : memref<104x128xf32, #tpu.memory_space<vmem>>, vector<1x16xf32>,
      %swap3A_554 = vector.shape_cast %swap3A_553 : vector<1x16xf32> to vector<16xf32>
      %swap3A_555 = vector.shape_cast %add3A_550 : vector<16xf32> to vector<1x16xf32>
      tpu.vector_store %arg7[%swap3A_551, %swap3A_552], %swap3A_555 {strides = array<i32>} : memref<104x128xf32, #tpu.memory_space<vmem>>, vector<1x16xf32>,
      %get3A_556 = arith.index_cast %add3A_515 : i32 to index
      %get3A_557 = arith.constant 48 : index
      %get3A_558 = tpu.vector_load %arg7[%get3A_556, %get3A_557] {strides = array<i32>} : memref<104x128xf32, #tpu.memory_space<vmem>>, vector<1x16xf32>,
      %get3A_559 = vector.shape_cast %get3A_558 : vector<1x16xf32> to vector<16xf32>
      %get3A_560 = arith.index_cast %add3A_18 : i32 to index
      %get3A_561 = arith.constant 48 : index
      %get3A_562 = tpu.vector_load %arg8[%get3A_560, %get3A_561] {strides = array<i32>} : memref<32x128xf32, #tpu.memory_space<vmem>>, vector<1x16xf32>,
      %get3A_563 = vector.shape_cast %get3A_562 : vector<1x16xf32> to vector<16xf32>
      %add3A_564 = arith.addf %get3A_559, %get3A_563 : vector<16xf32>
      %swap3A_565 = arith.index_cast %add3A_515 : i32 to index
      %swap3A_566 = arith.constant 48 : index
      %swap3A_567 = tpu.vector_load %arg7[%swap3A_565, %swap3A_566] {strides = array<i32>} : memref<104x128xf32, #tpu.memory_space<vmem>>, vector<1x16xf32>,
      %swap3A_568 = vector.shape_cast %swap3A_567 : vector<1x16xf32> to vector<16xf32>
      %swap3A_569 = vector.shape_cast %add3A_564 : vector<16xf32> to vector<1x16xf32>
      tpu.vector_store %arg7[%swap3A_565, %swap3A_566], %swap3A_569 {strides = array<i32>} : memref<104x128xf32, #tpu.memory_space<vmem>>, vector<1x16xf32>,
      %get3A_570 = arith.index_cast %add3A_515 : i32 to index
      %get3A_571 = arith.constant 64 : index
      %get3A_572 = tpu.vector_load %arg7[%get3A_570, %get3A_571] {strides = array<i32>} : memref<104x128xf32, #tpu.memory_space<vmem>>, vector<1x16xf32>,
      %get3A_573 = vector.shape_cast %get3A_572 : vector<1x16xf32> to vector<16xf32>
      %get3A_574 = arith.index_cast %add3A_18 : i32 to index
      %get3A_575 = arith.constant 64 : index
      %get3A_576 = tpu.vector_load %arg8[%get3A_574, %get3A_575] {strides = array<i32>} : memref<32x128xf32, #tpu.memory_space<vmem>>, vector<1x16xf32>,
      %get3A_577 = vector.shape_cast %get3A_576 : vector<1x16xf32> to vector<16xf32>
      %add3A_578 = arith.addf %get3A_573, %get3A_577 : vector<16xf32>
      %swap3A_579 = arith.index_cast %add3A_515 : i32 to index
      %swap3A_580 = arith.constant 64 : index
      %swap3A_581 = tpu.vector_load %arg7[%swap3A_579, %swap3A_580] {strides = array<i32>} : memref<104x128xf32, #tpu.memory_space<vmem>>, vector<1x16xf32>,
      %swap3A_582 = vector.shape_cast %swap3A_581 : vector<1x16xf32> to vector<16xf32>
      %swap3A_583 = vector.shape_cast %add3A_578 : vector<16xf32> to vector<1x16xf32>
      tpu.vector_store %arg7[%swap3A_579, %swap3A_580], %swap3A_583 {strides = array<i32>} : memref<104x128xf32, #tpu.memory_space<vmem>>, vector<1x16xf32>,
      %get3A_584 = arith.index_cast %add3A_515 : i32 to index
      %get3A_585 = arith.constant 80 : index
      %get3A_586 = tpu.vector_load %arg7[%get3A_584, %get3A_585] {strides = array<i32>} : memref<104x128xf32, #tpu.memory_space<vmem>>, vector<1x16xf32>,
      %get3A_587 = vector.shape_cast %get3A_586 : vector<1x16xf32> to vector<16xf32>
      %get3A_588 = arith.index_cast %add3A_18 : i32 to index
      %get3A_589 = arith.constant 80 : index
      %get3A_590 = tpu.vector_load %arg8[%get3A_588, %get3A_589] {strides = array<i32>} : memref<32x128xf32, #tpu.memory_space<vmem>>, vector<1x16xf32>,
      %get3A_591 = vector.shape_cast %get3A_590 : vector<1x16xf32> to vector<16xf32>
      %add3A_592 = arith.addf %get3A_587, %get3A_591 : vector<16xf32>
      %swap3A_593 = arith.index_cast %add3A_515 : i32 to index
      %swap3A_594 = arith.constant 80 : index
      %swap3A_595 = tpu.vector_load %arg7[%swap3A_593, %swap3A_594] {strides = array<i32>} : memref<104x128xf32, #tpu.memory_space<vmem>>, vector<1x16xf32>,
      %swap3A_596 = vector.shape_cast %swap3A_595 : vector<1x16xf32> to vector<16xf32>
      %swap3A_597 = vector.shape_cast %add3A_592 : vector<16xf32> to vector<1x16xf32>
      tpu.vector_store %arg7[%swap3A_593, %swap3A_594], %swap3A_597 {strides = array<i32>} : memref<104x128xf32, #tpu.memory_space<vmem>>, vector<1x16xf32>,
      %get3A_598 = arith.index_cast %add3A_515 : i32 to index
      %get3A_599 = arith.constant 96 : index
      %get3A_600 = tpu.vector_load %arg7[%get3A_598, %get3A_599] {strides = array<i32>} : memref<104x128xf32, #tpu.memory_space<vmem>>, vector<1x16xf32>,
      %get3A_601 = vector.shape_cast %get3A_600 : vector<1x16xf32> to vector<16xf32>
      %get3A_602 = arith.index_cast %add3A_18 : i32 to index
      %get3A_603 = arith.constant 96 : index
      %get3A_604 = tpu.vector_load %arg8[%get3A_602, %get3A_603] {strides = array<i32>} : memref<32x128xf32, #tpu.memory_space<vmem>>, vector<1x16xf32>,
      %get3A_605 = vector.shape_cast %get3A_604 : vector<1x16xf32> to vector<16xf32>
      %add3A_606 = arith.addf %get3A_601, %get3A_605 : vector<16xf32>
      %swap3A_607 = arith.index_cast %add3A_515 : i32 to index
      %swap3A_608 = arith.constant 96 : index
      %swap3A_609 = tpu.vector_load %arg7[%swap3A_607, %swap3A_608] {strides = array<i32>} : memref<104x128xf32, #tpu.memory_space<vmem>>, vector<1x16xf32>,
      %swap3A_610 = vector.shape_cast %swap3A_609 : vector<1x16xf32> to vector<16xf32>
      %swap3A_611 = vector.shape_cast %add3A_606 : vector<16xf32> to vector<1x16xf32>
      tpu.vector_store %arg7[%swap3A_607, %swap3A_608], %swap3A_611 {strides = array<i32>} : memref<104x128xf32, #tpu.memory_space<vmem>>, vector<1x16xf32>,
      %get3A_612 = arith.index_cast %add3A_515 : i32 to index
      %get3A_613 = arith.constant 112 : index
      %get3A_614 = tpu.vector_load %arg7[%get3A_612, %get3A_613] {strides = array<i32>} : memref<104x128xf32, #tpu.memory_space<vmem>>, vector<1x16xf32>,
      %get3A_615 = vector.shape_cast %get3A_614 : vector<1x16xf32> to vector<16xf32>
      %get3A_616 = arith.index_cast %add3A_18 : i32 to index
      %get3A_617 = arith.constant 112 : index
      %get3A_618 = tpu.vector_load %arg8[%get3A_616, %get3A_617] {strides = array<i32>} : memref<32x128xf32, #tpu.memory_space<vmem>>, vector<1x16xf32>,
      %get3A_619 = vector.shape_cast %get3A_618 : vector<1x16xf32> to vector<16xf32>
      %add3A_620 = arith.addf %get3A_615, %get3A_619 : vector<16xf32>
      %swap3A_621 = arith.index_cast %add3A_515 : i32 to index
      %swap3A_622 = arith.constant 112 : index
      %swap3A_623 = tpu.vector_load %arg7[%swap3A_621, %swap3A_622] {strides = array<i32>} : memref<104x128xf32, #tpu.memory_space<vmem>>, vector<1x16xf32>,
      %swap3A_624 = vector.shape_cast %swap3A_623 : vector<1x16xf32> to vector<16xf32>
      %swap3A_625 = vector.shape_cast %add3A_620 : vector<16xf32> to vector<1x16xf32>
      tpu.vector_store %arg7[%swap3A_621, %swap3A_622], %swap3A_625 {strides = array<i32>} : memref<104x128xf32, #tpu.memory_space<vmem>>, vector<1x16xf32>,
    }
    %scan3A_41 = arith.constant 98 : i32
    %mul3A_42 = arith.constant 104 : i32
    %mul3A_43 = arith.muli %add3A_18, %mul3A_42 : i32
    %dma_start3A_44 = arith.constant 0 : i32
    %dma_start3A_45 = tpu.memref_slice %arg6[%mul3A_43, %dma_start3A_44] : memref<3328x128xf32, #tpu.memory_space<vmem_shared>> -> memref<104x128xf32, #tpu.memory_space<vmem_shared>>
    %dma_start3A_46 = arith.constant 0 : i32
    %dma_start3A_47 = tpu.memref_slice %arg6[%mul3A_43, %dma_start3A_46] : memref<3328x128xf32, #tpu.memory_space<vmem_shared>> -> memref<104x128xf32, #tpu.memory_space<vmem_shared>>
    tpu.enqueue_dma source(%arg7 : memref<104x128xf32, #tpu.memory_space<vmem>>) target(%dma_start3A_47 : memref<104x128xf32, #tpu.memory_space<vmem_shared>>) target_semaphore(%arg15 : memref<!tpu.dma_semaphore, #tpu.memory_space<semaphore_mem>>)
    %dma_wait3A_48 = arith.constant 0 : i32
    %dma_wait3A_49 = tpu.memref_slice %arg2[%mul3A_2, %dma_wait3A_48] : memref<4096x128xi32, #tpu.memory_space<hbm>> -> memref<128x128xi32, #tpu.memory_space<hbm>>
    %dma_wait3A_50 = arith.constant 0 : i32
    %dma_wait3A_51 = tpu.memref_slice %arg2[%mul3A_2, %dma_wait3A_50] : memref<4096x128xi32, #tpu.memory_space<hbm>> -> memref<128x128xi32, #tpu.memory_space<hbm>>
    tpu.wait_dma2 semaphore(%arg13 : memref<!tpu.dma_semaphore, #tpu.memory_space<semaphore_mem>>) src(%dma_wait3A_51 : memref<128x128xi32, #tpu.memory_space<hbm>>) dst(%arg9 : memref<128x128xi32, #tpu.memory_space<vmem>>)
    %iota3A = tpu.iota {dimensions = array<i32: 0>} : vector<16xi32>
    %mul3A_52 = arith.constant 104 : i32
    %mul3A_53 = vector.broadcast %mul3A_52 : i32 to vector<16xi32>
    %mul3A_54 = arith.muli %iota3A, %mul3A_53 : vector<16xi32>
    %add3A_55 = arith.constant 16 : i32
    %add3A_56 = vector.broadcast %add3A_55 : i32 to vector<16xi32>
    %add3A_57 = arith.addi %iota3A, %add3A_56 : vector<16xi32>
    %mul3A_58 = arith.constant 104 : i32
    %mul3A_59 = vector.broadcast %mul3A_58 : i32 to vector<16xi32>
    %mul3A_60 = arith.muli %add3A_57, %mul3A_59 : vector<16xi32>
    %scan3A_61 = arith.constant 0 : i32
    %scan3A_62 = arith.constant 128 : i32
    %scan3A_63 = arith.addi %scan3A_61, %scan3A_62 : i32
    %scan3A_64 = arith.constant 1 : i32
    scf.for %scan3A_511 = %scan3A_61 to %scan3A_63 step %scan3A_64  : i32 {
      %mul3A_512 = arith.constant 1 : i32
      %mul3A_513 = arith.muli %scan3A_511, %mul3A_512 : i32
      %add3A_514 = arith.constant 0 : i32
      %add3A_515 = arith.addi %add3A_514, %mul3A_513 : i32
      %get3A = arith.index_cast %add3A_515 : i32 to index
      %get3A_516 = arith.constant 0 : index
      %get3A_517 = tpu.vector_load %arg9[%get3A, %get3A_516] {strides = array<i32>} : memref<128x128xi32, #tpu.memory_space<vmem>>, vector<1x16xi32>,
      %get3A_518 = vector.shape_cast %get3A_517 : vector<1x16xi32> to vector<16xi32>
      %add3A_519 = arith.addi %get3A_518, %mul3A_54 : vector<16xi32>
      %swap3A = arith.index_cast %add3A_515 : i32 to index
      %swap3A_520 = arith.constant 0 : index
      %swap3A_521 = tpu.vector_load %arg9[%swap3A, %swap3A_520] {strides = array<i32>} : memref<128x128xi32, #tpu.memory_space<vmem>>, vector<1x16xi32>,
      %swap3A_522 = vector.shape_cast %swap3A_521 : vector<1x16xi32> to vector<16xi32>
      %swap3A_523 = vector.shape_cast %add3A_519 : vector<16xi32> to vector<1x16xi32>
      tpu.vector_store %arg9[%swap3A, %swap3A_520], %swap3A_523 {strides = array<i32>} : memref<128x128xi32, #tpu.memory_space<vmem>>, vector<1x16xi32>,
      %get3A_524 = arith.index_cast %add3A_515 : i32 to index
      %get3A_525 = arith.constant 16 : index
      %get3A_526 = tpu.vector_load %arg9[%get3A_524, %get3A_525] {strides = array<i32>} : memref<128x128xi32, #tpu.memory_space<vmem>>, vector<1x16xi32>,
      %get3A_527 = vector.shape_cast %get3A_526 : vector<1x16xi32> to vector<16xi32>
      %add3A_528 = arith.addi %get3A_527, %mul3A_60 : vector<16xi32>
      %swap3A_529 = arith.index_cast %add3A_515 : i32 to index
      %swap3A_530 = arith.constant 16 : index
      %swap3A_531 = tpu.vector_load %arg9[%swap3A_529, %swap3A_530] {strides = array<i32>} : memref<128x128xi32, #tpu.memory_space<vmem>>, vector<1x16xi32>,
      %swap3A_532 = vector.shape_cast %swap3A_531 : vector<1x16xi32> to vector<16xi32>
      %swap3A_533 = vector.shape_cast %add3A_528 : vector<16xi32> to vector<1x16xi32>
      tpu.vector_store %arg9[%swap3A_529, %swap3A_530], %swap3A_533 {strides = array<i32>} : memref<128x128xi32, #tpu.memory_space<vmem>>, vector<1x16xi32>,
      %get3A_534 = arith.index_cast %add3A_515 : i32 to index
      %get3A_535 = arith.constant 32 : index
      %get3A_536 = tpu.vector_load %arg9[%get3A_534, %get3A_535] {strides = array<i32>} : memref<128x128xi32, #tpu.memory_space<vmem>>, vector<1x16xi32>,
      %get3A_537 = vector.shape_cast %get3A_536 : vector<1x16xi32> to vector<16xi32>
      %add3A_538 = arith.addi %get3A_537, %mul3A_54 : vector<16xi32>
      %swap3A_539 = arith.index_cast %add3A_515 : i32 to index
      %swap3A_540 = arith.constant 32 : index
      %swap3A_541 = tpu.vector_load %arg9[%swap3A_539, %swap3A_540] {strides = array<i32>} : memref<128x128xi32, #tpu.memory_space<vmem>>, vector<1x16xi32>,
      %swap3A_542 = vector.shape_cast %swap3A_541 : vector<1x16xi32> to vector<16xi32>
      %swap3A_543 = vector.shape_cast %add3A_538 : vector<16xi32> to vector<1x16xi32>
      tpu.vector_store %arg9[%swap3A_539, %swap3A_540], %swap3A_543 {strides = array<i32>} : memref<128x128xi32, #tpu.memory_space<vmem>>, vector<1x16xi32>,
      %get3A_544 = arith.index_cast %add3A_515 : i32 to index
      %get3A_545 = arith.constant 48 : index
      %get3A_546 = tpu.vector_load %arg9[%get3A_544, %get3A_545] {strides = array<i32>} : memref<128x128xi32, #tpu.memory_space<vmem>>, vector<1x16xi32>,
      %get3A_547 = vector.shape_cast %get3A_546 : vector<1x16xi32> to vector<16xi32>
      %add3A_548 = arith.addi %get3A_547, %mul3A_60 : vector<16xi32>
      %swap3A_549 = arith.index_cast %add3A_515 : i32 to index
      %swap3A_550 = arith.constant 48 : index
      %swap3A_551 = tpu.vector_load %arg9[%swap3A_549, %swap3A_550] {strides = array<i32>} : memref<128x128xi32, #tpu.memory_space<vmem>>, vector<1x16xi32>,
      %swap3A_552 = vector.shape_cast %swap3A_551 : vector<1x16xi32> to vector<16xi32>
      %swap3A_553 = vector.shape_cast %add3A_548 : vector<16xi32> to vector<1x16xi32>
      tpu.vector_store %arg9[%swap3A_549, %swap3A_550], %swap3A_553 {strides = array<i32>} : memref<128x128xi32, #tpu.memory_space<vmem>>, vector<1x16xi32>,
      %get3A_554 = arith.index_cast %add3A_515 : i32 to index
      %get3A_555 = arith.constant 64 : index
      %get3A_556 = tpu.vector_load %arg9[%get3A_554, %get3A_555] {strides = array<i32>} : memref<128x128xi32, #tpu.memory_space<vmem>>, vector<1x16xi32>,
      %get3A_557 = vector.shape_cast %get3A_556 : vector<1x16xi32> to vector<16xi32>
      %add3A_558 = arith.addi %get3A_557, %mul3A_54 : vector<16xi32>
      %swap3A_559 = arith.index_cast %add3A_515 : i32 to index
      %swap3A_560 = arith.constant 64 : index
      %swap3A_561 = tpu.vector_load %arg9[%swap3A_559, %swap3A_560] {strides = array<i32>} : memref<128x128xi32, #tpu.memory_space<vmem>>, vector<1x16xi32>,
      %swap3A_562 = vector.shape_cast %swap3A_561 : vector<1x16xi32> to vector<16xi32>
      %swap3A_563 = vector.shape_cast %add3A_558 : vector<16xi32> to vector<1x16xi32>
      tpu.vector_store %arg9[%swap3A_559, %swap3A_560], %swap3A_563 {strides = array<i32>} : memref<128x128xi32, #tpu.memory_space<vmem>>, vector<1x16xi32>,
      %get3A_564 = arith.index_cast %add3A_515 : i32 to index
      %get3A_565 = arith.constant 80 : index
      %get3A_566 = tpu.vector_load %arg9[%get3A_564, %get3A_565] {strides = array<i32>} : memref<128x128xi32, #tpu.memory_space<vmem>>, vector<1x16xi32>,
      %get3A_567 = vector.shape_cast %get3A_566 : vector<1x16xi32> to vector<16xi32>
      %add3A_568 = arith.addi %get3A_567, %mul3A_60 : vector<16xi32>
      %swap3A_569 = arith.index_cast %add3A_515 : i32 to index
      %swap3A_570 = arith.constant 80 : index
      %swap3A_571 = tpu.vector_load %arg9[%swap3A_569, %swap3A_570] {strides = array<i32>} : memref<128x128xi32, #tpu.memory_space<vmem>>, vector<1x16xi32>,
      %swap3A_572 = vector.shape_cast %swap3A_571 : vector<1x16xi32> to vector<16xi32>
      %swap3A_573 = vector.shape_cast %add3A_568 : vector<16xi32> to vector<1x16xi32>
      tpu.vector_store %arg9[%swap3A_569, %swap3A_570], %swap3A_573 {strides = array<i32>} : memref<128x128xi32, #tpu.memory_space<vmem>>, vector<1x16xi32>,
      %get3A_574 = arith.index_cast %add3A_515 : i32 to index
      %get3A_575 = arith.constant 96 : index
      %get3A_576 = tpu.vector_load %arg9[%get3A_574, %get3A_575] {strides = array<i32>} : memref<128x128xi32, #tpu.memory_space<vmem>>, vector<1x16xi32>,
      %get3A_577 = vector.shape_cast %get3A_576 : vector<1x16xi32> to vector<16xi32>
      %add3A_578 = arith.addi %get3A_577, %mul3A_54 : vector<16xi32>
      %swap3A_579 = arith.index_cast %add3A_515 : i32 to index
      %swap3A_580 = arith.constant 96 : index
      %swap3A_581 = tpu.vector_load %arg9[%swap3A_579, %swap3A_580] {strides = array<i32>} : memref<128x128xi32, #tpu.memory_space<vmem>>, vector<1x16xi32>,
      %swap3A_582 = vector.shape_cast %swap3A_581 : vector<1x16xi32> to vector<16xi32>
      %swap3A_583 = vector.shape_cast %add3A_578 : vector<16xi32> to vector<1x16xi32>
      tpu.vector_store %arg9[%swap3A_579, %swap3A_580], %swap3A_583 {strides = array<i32>} : memref<128x128xi32, #tpu.memory_space<vmem>>, vector<1x16xi32>,
      %get3A_584 = arith.index_cast %add3A_515 : i32 to index
      %get3A_585 = arith.constant 112 : index
      %get3A_586 = tpu.vector_load %arg9[%get3A_584, %get3A_585] {strides = array<i32>} : memref<128x128xi32, #tpu.memory_space<vmem>>, vector<1x16xi32>,
      %get3A_587 = vector.shape_cast %get3A_586 : vector<1x16xi32> to vector<16xi32>
      %add3A_588 = arith.addi %get3A_587, %mul3A_60 : vector<16xi32>
      %swap3A_589 = arith.index_cast %add3A_515 : i32 to index
      %swap3A_590 = arith.constant 112 : index
      %swap3A_591 = tpu.vector_load %arg9[%swap3A_589, %swap3A_590] {strides = array<i32>} : memref<128x128xi32, #tpu.memory_space<vmem>>, vector<1x16xi32>,
      %swap3A_592 = vector.shape_cast %swap3A_591 : vector<1x16xi32> to vector<16xi32>
      %swap3A_593 = vector.shape_cast %add3A_588 : vector<16xi32> to vector<1x16xi32>
      tpu.vector_store %arg9[%swap3A_589, %swap3A_590], %swap3A_593 {strides = array<i32>} : memref<128x128xi32, #tpu.memory_space<vmem>>, vector<1x16xi32>,
    }
    %scan3A_65 = arith.constant 128 : i32
    %mul3A_66 = arith.constant 104 : i32
    %mul3A_67 = arith.muli %add3A_18, %mul3A_66 : i32
    %dma_wait3A_68 = arith.constant 0 : i32
    %dma_wait3A_69 = tpu.memref_slice %arg6[%mul3A_67, %dma_wait3A_68] : memref<3328x128xf32, #tpu.memory_space<vmem_shared>> -> memref<104x128xf32, #tpu.memory_space<vmem_shared>>
    %dma_wait3A_70 = arith.constant 0 : i32
    %dma_wait3A_71 = tpu.memref_slice %arg6[%mul3A_67, %dma_wait3A_70] : memref<3328x128xf32, #tpu.memory_space<vmem_shared>> -> memref<104x128xf32, #tpu.memory_space<vmem_shared>>
    tpu.wait_dma2 semaphore(%arg15 : memref<!tpu.dma_semaphore, #tpu.memory_space<semaphore_mem>>) src(%arg7 : memref<104x128xf32, #tpu.memory_space<vmem>>) dst(%dma_wait3A_71 : memref<104x128xf32, #tpu.memory_space<vmem_shared>>)
    %barrier3A = arith.constant 0 : index
    tpu.barrier barrier_id(%barrier3A)
    %mul3A_72 = arith.constant 16384 : i32
    %mul3A_73 = arith.muli %add3A, %mul3A_72 : i32
    %dma_start3A_74 = arith.constant 0 : i32
    %dma_start3A_75 = arith.constant 0 : i32
    %dma_start3A_76 = arith.constant 0 : i32
    %dma_start3A_77 = arith.constant 0 : i32
    %dma_start3A_78 = tpu.memref_slice %arg10[%dma_start3A_75, %dma_start3A_76, %dma_start3A_77] : memref<8x64x128xf32, #tpu.memory_space<vmem>> -> memref<1x64x128xf32, #tpu.memory_space<vmem>>
    %dma_start3A_79 = tpu.memref_squeeze %dma_start3A_78 : memref<1x64x128xf32, #tpu.memory_space<vmem>> -> memref<64x128xf32, #tpu.memory_space<vmem>>
    %dma_start3A_80 = arith.constant 0 : i32
    %dma_start3A_81 = tpu.memref_slice %arg9[%dma_start3A_74, %dma_start3A_80] : memref<128x128xi32, #tpu.memory_space<vmem>> -> memref<1x64xi32, #tpu.memory_space<vmem>>
    %dma_start3A_82 = tpu.memref_squeeze %dma_start3A_81 : memref<1x64xi32, #tpu.memory_space<vmem>> -> memref<64xi32, #tpu.memory_space<vmem>>
    %dma_start3A_83 = arith.constant 0 : i32
    %dma_start3A_84 = arith.constant 0 : i32
    %dma_start3A_85 = tpu.memref_slice %arg6[%dma_start3A_83, %dma_start3A_84] : memref<3328x128xf32, #tpu.memory_space<vmem_shared>> -> memref<3328x128xf32, #tpu.memory_space<vmem_shared>>
    tpu.enqueue_indirect_dma source(%dma_start3A_85 : memref<3328x128xf32, #tpu.memory_space<vmem_shared>>) target(%dma_start3A_79 : memref<64x128xf32, #tpu.memory_space<vmem>>) offsets(%dma_start3A_82 : memref<64xi32, #tpu.memory_space<vmem>>) semaphore(%arg11 : memref<!tpu.dma_semaphore, #tpu.memory_space<semaphore_mem>>)
    %dma_start3A_86 = arith.constant 0 : i32
    %dma_start3A_87 = arith.constant 1 : i32
    %dma_start3A_88 = arith.constant 0 : i32
    %dma_start3A_89 = arith.constant 0 : i32
    %dma_start3A_90 = tpu.memref_slice %arg10[%dma_start3A_87, %dma_start3A_88, %dma_start3A_89] : memref<8x64x128xf32, #tpu.memory_space<vmem>> -> memref<1x64x128xf32, #tpu.memory_space<vmem>>
    %dma_start3A_91 = tpu.memref_squeeze %dma_start3A_90 : memref<1x64x128xf32, #tpu.memory_space<vmem>> -> memref<64x128xf32, #tpu.memory_space<vmem>>
    %dma_start3A_92 = arith.constant 64 : i32
    %dma_start3A_93 = tpu.memref_slice %arg9[%dma_start3A_86, %dma_start3A_92] : memref<128x128xi32, #tpu.memory_space<vmem>> -> memref<1x64xi32, #tpu.memory_space<vmem>>
    %dma_start3A_94 = tpu.memref_squeeze %dma_start3A_93 : memref<1x64xi32, #tpu.memory_space<vmem>> -> memref<64xi32, #tpu.memory_space<vmem>>
    %dma_start3A_95 = arith.constant 0 : i32
    %dma_start3A_96 = arith.constant 0 : i32
    %dma_start3A_97 = tpu.memref_slice %arg6[%dma_start3A_95, %dma_start3A_96] : memref<3328x128xf32, #tpu.memory_space<vmem_shared>> -> memref<3328x128xf32, #tpu.memory_space<vmem_shared>>
    tpu.enqueue_indirect_dma source(%dma_start3A_97 : memref<3328x128xf32, #tpu.memory_space<vmem_shared>>) target(%dma_start3A_91 : memref<64x128xf32, #tpu.memory_space<vmem>>) offsets(%dma_start3A_94 : memref<64xi32, #tpu.memory_space<vmem>>) semaphore(%arg11 : memref<!tpu.dma_semaphore, #tpu.memory_space<semaphore_mem>>)
    %dma_start3A_98 = arith.constant 1 : i32
    %dma_start3A_99 = arith.constant 2 : i32
    %dma_start3A_100 = arith.constant 0 : i32
    %dma_start3A_101 = arith.constant 0 : i32
    %dma_start3A_102 = tpu.memref_slice %arg10[%dma_start3A_99, %dma_start3A_100, %dma_start3A_101] : memref<8x64x128xf32, #tpu.memory_space<vmem>> -> memref<1x64x128xf32, #tpu.memory_space<vmem>>
    %dma_start3A_103 = tpu.memref_squeeze %dma_start3A_102 : memref<1x64x128xf32, #tpu.memory_space<vmem>> -> memref<64x128xf32, #tpu.memory_space<vmem>>
    %dma_start3A_104 = arith.constant 0 : i32
    %dma_start3A_105 = tpu.memref_slice %arg9[%dma_start3A_98, %dma_start3A_104] : memref<128x128xi32, #tpu.memory_space<vmem>> -> memref<1x64xi32, #tpu.memory_space<vmem>>
    %dma_start3A_106 = tpu.memref_squeeze %dma_start3A_105 : memref<1x64xi32, #tpu.memory_space<vmem>> -> memref<64xi32, #tpu.memory_space<vmem>>
    %dma_start3A_107 = arith.constant 0 : i32
    %dma_start3A_108 = arith.constant 0 : i32
    %dma_start3A_109 = tpu.memref_slice %arg6[%dma_start3A_107, %dma_start3A_108] : memref<3328x128xf32, #tpu.memory_space<vmem_shared>> -> memref<3328x128xf32, #tpu.memory_space<vmem_shared>>
    tpu.enqueue_indirect_dma source(%dma_start3A_109 : memref<3328x128xf32, #tpu.memory_space<vmem_shared>>) target(%dma_start3A_103 : memref<64x128xf32, #tpu.memory_space<vmem>>) offsets(%dma_start3A_106 : memref<64xi32, #tpu.memory_space<vmem>>) semaphore(%arg11 : memref<!tpu.dma_semaphore, #tpu.memory_space<semaphore_mem>>)
    %dma_start3A_110 = arith.constant 1 : i32
    %dma_start3A_111 = arith.constant 3 : i32
    %dma_start3A_112 = arith.constant 0 : i32
    %dma_start3A_113 = arith.constant 0 : i32
    %dma_start3A_114 = tpu.memref_slice %arg10[%dma_start3A_111, %dma_start3A_112, %dma_start3A_113] : memref<8x64x128xf32, #tpu.memory_space<vmem>> -> memref<1x64x128xf32, #tpu.memory_space<vmem>>
    %dma_start3A_115 = tpu.memref_squeeze %dma_start3A_114 : memref<1x64x128xf32, #tpu.memory_space<vmem>> -> memref<64x128xf32, #tpu.memory_space<vmem>>
    %dma_start3A_116 = arith.constant 64 : i32
    %dma_start3A_117 = tpu.memref_slice %arg9[%dma_start3A_110, %dma_start3A_116] : memref<128x128xi32, #tpu.memory_space<vmem>> -> memref<1x64xi32, #tpu.memory_space<vmem>>
    %dma_start3A_118 = tpu.memref_squeeze %dma_start3A_117 : memref<1x64xi32, #tpu.memory_space<vmem>> -> memref<64xi32, #tpu.memory_space<vmem>>
    %dma_start3A_119 = arith.constant 0 : i32
    %dma_start3A_120 = arith.constant 0 : i32
    %dma_start3A_121 = tpu.memref_slice %arg6[%dma_start3A_119, %dma_start3A_120] : memref<3328x128xf32, #tpu.memory_space<vmem_shared>> -> memref<3328x128xf32, #tpu.memory_space<vmem_shared>>
    tpu.enqueue_indirect_dma source(%dma_start3A_121 : memref<3328x128xf32, #tpu.memory_space<vmem_shared>>) target(%dma_start3A_115 : memref<64x128xf32, #tpu.memory_space<vmem>>) offsets(%dma_start3A_118 : memref<64xi32, #tpu.memory_space<vmem>>) semaphore(%arg11 : memref<!tpu.dma_semaphore, #tpu.memory_space<semaphore_mem>>)
    %dma_wait3A_122 = arith.constant 0 : i32
    %dma_wait3A_123 = arith.constant 0 : i32
    %dma_wait3A_124 = arith.constant 0 : i32
    %dma_wait3A_125 = arith.constant 0 : i32
    %dma_wait3A_126 = tpu.memref_slice %arg10[%dma_wait3A_123, %dma_wait3A_124, %dma_wait3A_125] : memref<8x64x128xf32, #tpu.memory_space<vmem>> -> memref<1x64x128xf32, #tpu.memory_space<vmem>>
    %dma_wait3A_127 = tpu.memref_squeeze %dma_wait3A_126 : memref<1x64x128xf32, #tpu.memory_space<vmem>> -> memref<64x128xf32, #tpu.memory_space<vmem>>
    %dma_wait3A_128 = arith.constant 0 : i32
    %dma_wait3A_129 = tpu.memref_slice %arg9[%dma_wait3A_122, %dma_wait3A_128] : memref<128x128xi32, #tpu.memory_space<vmem>> -> memref<1x64xi32, #tpu.memory_space<vmem>>
    %dma_wait3A_130 = tpu.memref_squeeze %dma_wait3A_129 : memref<1x64xi32, #tpu.memory_space<vmem>> -> memref<64xi32, #tpu.memory_space<vmem>>
    %dma_wait3A_131 = arith.constant 0 : i32
    %dma_wait3A_132 = arith.constant 0 : i32
    %dma_wait3A_133 = tpu.memref_slice %arg6[%dma_wait3A_131, %dma_wait3A_132] : memref<3328x128xf32, #tpu.memory_space<vmem_shared>> -> memref<3328x128xf32, #tpu.memory_space<vmem_shared>>
    tpu.wait_indirect_dma semaphore(%arg11 : memref<!tpu.dma_semaphore, #tpu.memory_space<semaphore_mem>>) src(%dma_wait3A_133 : memref<3328x128xf32, #tpu.memory_space<vmem_shared>>) dst(%dma_wait3A_127 : memref<64x128xf32, #tpu.memory_space<vmem>>)
    %add3A_134 = arith.constant 0 : i32
    %add3A_135 = arith.addi %mul3A_73, %add3A_134 : i32
    %dma_start3A_136 = arith.constant 0 : i32
    %dma_start3A_137 = arith.constant 0 : i32
    %dma_start3A_138 = arith.constant 0 : i32
    %dma_start3A_139 = tpu.memref_slice %arg10[%dma_start3A_136, %dma_start3A_137, %dma_start3A_138] : memref<8x64x128xf32, #tpu.memory_space<vmem>> -> memref<1x64x128xf32, #tpu.memory_space<vmem>>
    %dma_start3A_140 = tpu.memref_squeeze %dma_start3A_139 : memref<1x64x128xf32, #tpu.memory_space<vmem>> -> memref<64x128xf32, #tpu.memory_space<vmem>>
    %dma_start3A_141 = arith.constant 0 : i32
    %dma_start3A_142 = tpu.memref_slice %arg5[%add3A_135, %dma_start3A_141] : memref<524288x128xf32, #tpu.memory_space<hbm>> -> memref<64x128xf32, #tpu.memory_space<hbm>>
    %dma_start3A_143 = arith.constant 0 : i32
    %dma_start3A_144 = tpu.memref_slice %arg5[%add3A_135, %dma_start3A_143] : memref<524288x128xf32, #tpu.memory_space<hbm>> -> memref<64x128xf32, #tpu.memory_space<hbm>>
    %dma_start3A_145 = arith.constant 0 : i32
    %dma_start3A_146 = arith.constant 0 : i32
    %dma_start3A_147 = tpu.memref_slice %arg10[%dma_start3A_136, %dma_start3A_145, %dma_start3A_146] : memref<8x64x128xf32, #tpu.memory_space<vmem>> -> memref<1x64x128xf32, #tpu.memory_space<vmem>>
    %dma_start3A_148 = tpu.memref_squeeze %dma_start3A_147 : memref<1x64x128xf32, #tpu.memory_space<vmem>> -> memref<64x128xf32, #tpu.memory_space<vmem>>
    tpu.enqueue_dma source(%dma_start3A_148 : memref<64x128xf32, #tpu.memory_space<vmem>>) target(%dma_start3A_144 : memref<64x128xf32, #tpu.memory_space<hbm>>) target_semaphore(%arg12 : memref<!tpu.dma_semaphore, #tpu.memory_space<semaphore_mem>>)
    %dma_start3A_149 = arith.constant 2 : i32
    %dma_start3A_150 = arith.constant 4 : i32
    %dma_start3A_151 = arith.constant 0 : i32
    %dma_start3A_152 = arith.constant 0 : i32
    %dma_start3A_153 = tpu.memref_slice %arg10[%dma_start3A_150, %dma_start3A_151, %dma_start3A_152] : memref<8x64x128xf32, #tpu.memory_space<vmem>> -> memref<1x64x128xf32, #tpu.memory_space<vmem>>
    %dma_start3A_154 = tpu.memref_squeeze %dma_start3A_153 : memref<1x64x128xf32, #tpu.memory_space<vmem>> -> memref<64x128xf32, #tpu.memory_space<vmem>>
    %dma_start3A_155 = arith.constant 0 : i32
    %dma_start3A_156 = tpu.memref_slice %arg9[%dma_start3A_149, %dma_start3A_155] : memref<128x128xi32, #tpu.memory_space<vmem>> -> memref<1x64xi32, #tpu.memory_space<vmem>>
    %dma_start3A_157 = tpu.memref_squeeze %dma_start3A_156 : memref<1x64xi32, #tpu.memory_space<vmem>> -> memref<64xi32, #tpu.memory_space<vmem>>
    %dma_start3A_158 = arith.constant 0 : i32
    %dma_start3A_159 = arith.constant 0 : i32
    %dma_start3A_160 = tpu.memref_slice %arg6[%dma_start3A_158, %dma_start3A_159] : memref<3328x128xf32, #tpu.memory_space<vmem_shared>> -> memref<3328x128xf32, #tpu.memory_space<vmem_shared>>
    tpu.enqueue_indirect_dma source(%dma_start3A_160 : memref<3328x128xf32, #tpu.memory_space<vmem_shared>>) target(%dma_start3A_154 : memref<64x128xf32, #tpu.memory_space<vmem>>) offsets(%dma_start3A_157 : memref<64xi32, #tpu.memory_space<vmem>>) semaphore(%arg11 : memref<!tpu.dma_semaphore, #tpu.memory_space<semaphore_mem>>)
    %dma_wait3A_161 = arith.constant 0 : i32
    %dma_wait3A_162 = arith.constant 1 : i32
    %dma_wait3A_163 = arith.constant 0 : i32
    %dma_wait3A_164 = arith.constant 0 : i32
    %dma_wait3A_165 = tpu.memref_slice %arg10[%dma_wait3A_162, %dma_wait3A_163, %dma_wait3A_164] : memref<8x64x128xf32, #tpu.memory_space<vmem>> -> memref<1x64x128xf32, #tpu.memory_space<vmem>>
    %dma_wait3A_166 = tpu.memref_squeeze %dma_wait3A_165 : memref<1x64x128xf32, #tpu.memory_space<vmem>> -> memref<64x128xf32, #tpu.memory_space<vmem>>
    %dma_wait3A_167 = arith.constant 64 : i32
    %dma_wait3A_168 = tpu.memref_slice %arg9[%dma_wait3A_161, %dma_wait3A_167] : memref<128x128xi32, #tpu.memory_space<vmem>> -> memref<1x64xi32, #tpu.memory_space<vmem>>
    %dma_wait3A_169 = tpu.memref_squeeze %dma_wait3A_168 : memref<1x64xi32, #tpu.memory_space<vmem>> -> memref<64xi32, #tpu.memory_space<vmem>>
    %dma_wait3A_170 = arith.constant 0 : i32
    %dma_wait3A_171 = arith.constant 0 : i32
    %dma_wait3A_172 = tpu.memref_slice %arg6[%dma_wait3A_170, %dma_wait3A_171] : memref<3328x128xf32, #tpu.memory_space<vmem_shared>> -> memref<3328x128xf32, #tpu.memory_space<vmem_shared>>
    tpu.wait_indirect_dma semaphore(%arg11 : memref<!tpu.dma_semaphore, #tpu.memory_space<semaphore_mem>>) src(%dma_wait3A_172 : memref<3328x128xf32, #tpu.memory_space<vmem_shared>>) dst(%dma_wait3A_166 : memref<64x128xf32, #tpu.memory_space<vmem>>)
    %add3A_173 = arith.constant 64 : i32
    %add3A_174 = arith.addi %mul3A_73, %add3A_173 : i32
    %dma_start3A_175 = arith.constant 1 : i32
    %dma_start3A_176 = arith.constant 0 : i32
    %dma_start3A_177 = arith.constant 0 : i32
    %dma_start3A_178 = tpu.memref_slice %arg10[%dma_start3A_175, %dma_start3A_176, %dma_start3A_177] : memref<8x64x128xf32, #tpu.memory_space<vmem>> -> memref<1x64x128xf32, #tpu.memory_space<vmem>>
    %dma_start3A_179 = tpu.memref_squeeze %dma_start3A_178 : memref<1x64x128xf32, #tpu.memory_space<vmem>> -> memref<64x128xf32, #tpu.memory_space<vmem>>
    %dma_start3A_180 = arith.constant 0 : i32
    %dma_start3A_181 = tpu.memref_slice %arg5[%add3A_174, %dma_start3A_180] : memref<524288x128xf32, #tpu.memory_space<hbm>> -> memref<64x128xf32, #tpu.memory_space<hbm>>
    %dma_start3A_182 = arith.constant 0 : i32
    %dma_start3A_183 = tpu.memref_slice %arg5[%add3A_174, %dma_start3A_182] : memref<524288x128xf32, #tpu.memory_space<hbm>> -> memref<64x128xf32, #tpu.memory_space<hbm>>
    %dma_start3A_184 = arith.constant 0 : i32
    %dma_start3A_185 = arith.constant 0 : i32
    %dma_start3A_186 = tpu.memref_slice %arg10[%dma_start3A_175, %dma_start3A_184, %dma_start3A_185] : memref<8x64x128xf32, #tpu.memory_space<vmem>> -> memref<1x64x128xf32, #tpu.memory_space<vmem>>
    %dma_start3A_187 = tpu.memref_squeeze %dma_start3A_186 : memref<1x64x128xf32, #tpu.memory_space<vmem>> -> memref<64x128xf32, #tpu.memory_space<vmem>>
    tpu.enqueue_dma source(%dma_start3A_187 : memref<64x128xf32, #tpu.memory_space<vmem>>) target(%dma_start3A_183 : memref<64x128xf32, #tpu.memory_space<hbm>>) target_semaphore(%arg12 : memref<!tpu.dma_semaphore, #tpu.memory_space<semaphore_mem>>)
    %dma_start3A_188 = arith.constant 2 : i32
    %dma_start3A_189 = arith.constant 5 : i32
    %dma_start3A_190 = arith.constant 0 : i32
    %dma_start3A_191 = arith.constant 0 : i32
    %dma_start3A_192 = tpu.memref_slice %arg10[%dma_start3A_189, %dma_start3A_190, %dma_start3A_191] : memref<8x64x128xf32, #tpu.memory_space<vmem>> -> memref<1x64x128xf32, #tpu.memory_space<vmem>>
    %dma_start3A_193 = tpu.memref_squeeze %dma_start3A_192 : memref<1x64x128xf32, #tpu.memory_space<vmem>> -> memref<64x128xf32, #tpu.memory_space<vmem>>
    %dma_start3A_194 = arith.constant 64 : i32
    %dma_start3A_195 = tpu.memref_slice %arg9[%dma_start3A_188, %dma_start3A_194] : memref<128x128xi32, #tpu.memory_space<vmem>> -> memref<1x64xi32, #tpu.memory_space<vmem>>
    %dma_start3A_196 = tpu.memref_squeeze %dma_start3A_195 : memref<1x64xi32, #tpu.memory_space<vmem>> -> memref<64xi32, #tpu.memory_space<vmem>>
    %dma_start3A_197 = arith.constant 0 : i32
    %dma_start3A_198 = arith.constant 0 : i32
    %dma_start3A_199 = tpu.memref_slice %arg6[%dma_start3A_197, %dma_start3A_198] : memref<3328x128xf32, #tpu.memory_space<vmem_shared>> -> memref<3328x128xf32, #tpu.memory_space<vmem_shared>>
    tpu.enqueue_indirect_dma source(%dma_start3A_199 : memref<3328x128xf32, #tpu.memory_space<vmem_shared>>) target(%dma_start3A_193 : memref<64x128xf32, #tpu.memory_space<vmem>>) offsets(%dma_start3A_196 : memref<64xi32, #tpu.memory_space<vmem>>) semaphore(%arg11 : memref<!tpu.dma_semaphore, #tpu.memory_space<semaphore_mem>>)
    %dma_wait3A_200 = arith.constant 1 : i32
    %dma_wait3A_201 = arith.constant 2 : i32
    %dma_wait3A_202 = arith.constant 0 : i32
    %dma_wait3A_203 = arith.constant 0 : i32
    %dma_wait3A_204 = tpu.memref_slice %arg10[%dma_wait3A_201, %dma_wait3A_202, %dma_wait3A_203] : memref<8x64x128xf32, #tpu.memory_space<vmem>> -> memref<1x64x128xf32, #tpu.memory_space<vmem>>
    %dma_wait3A_205 = tpu.memref_squeeze %dma_wait3A_204 : memref<1x64x128xf32, #tpu.memory_space<vmem>> -> memref<64x128xf32, #tpu.memory_space<vmem>>
    %dma_wait3A_206 = arith.constant 0 : i32
    %dma_wait3A_207 = tpu.memref_slice %arg9[%dma_wait3A_200, %dma_wait3A_206] : memref<128x128xi32, #tpu.memory_space<vmem>> -> memref<1x64xi32, #tpu.memory_space<vmem>>
    %dma_wait3A_208 = tpu.memref_squeeze %dma_wait3A_207 : memref<1x64xi32, #tpu.memory_space<vmem>> -> memref<64xi32, #tpu.memory_space<vmem>>
    %dma_wait3A_209 = arith.constant 0 : i32
    %dma_wait3A_210 = arith.constant 0 : i32
    %dma_wait3A_211 = tpu.memref_slice %arg6[%dma_wait3A_209, %dma_wait3A_210] : memref<3328x128xf32, #tpu.memory_space<vmem_shared>> -> memref<3328x128xf32, #tpu.memory_space<vmem_shared>>
    tpu.wait_indirect_dma semaphore(%arg11 : memref<!tpu.dma_semaphore, #tpu.memory_space<semaphore_mem>>) src(%dma_wait3A_211 : memref<3328x128xf32, #tpu.memory_space<vmem_shared>>) dst(%dma_wait3A_205 : memref<64x128xf32, #tpu.memory_space<vmem>>)
    %add3A_212 = arith.constant 128 : i32
    %add3A_213 = arith.addi %mul3A_73, %add3A_212 : i32
    %dma_start3A_214 = arith.constant 2 : i32
    %dma_start3A_215 = arith.constant 0 : i32
    %dma_start3A_216 = arith.constant 0 : i32
    %dma_start3A_217 = tpu.memref_slice %arg10[%dma_start3A_214, %dma_start3A_215, %dma_start3A_216] : memref<8x64x128xf32, #tpu.memory_space<vmem>> -> memref<1x64x128xf32, #tpu.memory_space<vmem>>
    %dma_start3A_218 = tpu.memref_squeeze %dma_start3A_217 : memref<1x64x128xf32, #tpu.memory_space<vmem>> -> memref<64x128xf32, #tpu.memory_space<vmem>>
    %dma_start3A_219 = arith.constant 0 : i32
    %dma_start3A_220 = tpu.memref_slice %arg5[%add3A_213, %dma_start3A_219] : memref<524288x128xf32, #tpu.memory_space<hbm>> -> memref<64x128xf32, #tpu.memory_space<hbm>>
    %dma_start3A_221 = arith.constant 0 : i32
    %dma_start3A_222 = tpu.memref_slice %arg5[%add3A_213, %dma_start3A_221] : memref<524288x128xf32, #tpu.memory_space<hbm>> -> memref<64x128xf32, #tpu.memory_space<hbm>>
    %dma_start3A_223 = arith.constant 0 : i32
    %dma_start3A_224 = arith.constant 0 : i32
    %dma_start3A_225 = tpu.memref_slice %arg10[%dma_start3A_214, %dma_start3A_223, %dma_start3A_224] : memref<8x64x128xf32, #tpu.memory_space<vmem>> -> memref<1x64x128xf32, #tpu.memory_space<vmem>>
    %dma_start3A_226 = tpu.memref_squeeze %dma_start3A_225 : memref<1x64x128xf32, #tpu.memory_space<vmem>> -> memref<64x128xf32, #tpu.memory_space<vmem>>
    tpu.enqueue_dma source(%dma_start3A_226 : memref<64x128xf32, #tpu.memory_space<vmem>>) target(%dma_start3A_222 : memref<64x128xf32, #tpu.memory_space<hbm>>) target_semaphore(%arg12 : memref<!tpu.dma_semaphore, #tpu.memory_space<semaphore_mem>>)
    %dma_start3A_227 = arith.constant 3 : i32
    %dma_start3A_228 = arith.constant 6 : i32
    %dma_start3A_229 = arith.constant 0 : i32
    %dma_start3A_230 = arith.constant 0 : i32
    %dma_start3A_231 = tpu.memref_slice %arg10[%dma_start3A_228, %dma_start3A_229, %dma_start3A_230] : memref<8x64x128xf32, #tpu.memory_space<vmem>> -> memref<1x64x128xf32, #tpu.memory_space<vmem>>
    %dma_start3A_232 = tpu.memref_squeeze %dma_start3A_231 : memref<1x64x128xf32, #tpu.memory_space<vmem>> -> memref<64x128xf32, #tpu.memory_space<vmem>>
    %dma_start3A_233 = arith.constant 0 : i32
    %dma_start3A_234 = tpu.memref_slice %arg9[%dma_start3A_227, %dma_start3A_233] : memref<128x128xi32, #tpu.memory_space<vmem>> -> memref<1x64xi32, #tpu.memory_space<vmem>>
    %dma_start3A_235 = tpu.memref_squeeze %dma_start3A_234 : memref<1x64xi32, #tpu.memory_space<vmem>> -> memref<64xi32, #tpu.memory_space<vmem>>
    %dma_start3A_236 = arith.constant 0 : i32
    %dma_start3A_237 = arith.constant 0 : i32
    %dma_start3A_238 = tpu.memref_slice %arg6[%dma_start3A_236, %dma_start3A_237] : memref<3328x128xf32, #tpu.memory_space<vmem_shared>> -> memref<3328x128xf32, #tpu.memory_space<vmem_shared>>
    tpu.enqueue_indirect_dma source(%dma_start3A_238 : memref<3328x128xf32, #tpu.memory_space<vmem_shared>>) target(%dma_start3A_232 : memref<64x128xf32, #tpu.memory_space<vmem>>) offsets(%dma_start3A_235 : memref<64xi32, #tpu.memory_space<vmem>>) semaphore(%arg11 : memref<!tpu.dma_semaphore, #tpu.memory_space<semaphore_mem>>)
    %dma_wait3A_239 = arith.constant 1 : i32
    %dma_wait3A_240 = arith.constant 3 : i32
    %dma_wait3A_241 = arith.constant 0 : i32
    %dma_wait3A_242 = arith.constant 0 : i32
    %dma_wait3A_243 = tpu.memref_slice %arg10[%dma_wait3A_240, %dma_wait3A_241, %dma_wait3A_242] : memref<8x64x128xf32, #tpu.memory_space<vmem>> -> memref<1x64x128xf32, #tpu.memory_space<vmem>>
    %dma_wait3A_244 = tpu.memref_squeeze %dma_wait3A_243 : memref<1x64x128xf32, #tpu.memory_space<vmem>> -> memref<64x128xf32, #tpu.memory_space<vmem>>
    %dma_wait3A_245 = arith.constant 64 : i32
    %dma_wait3A_246 = tpu.memref_slice %arg9[%dma_wait3A_239, %dma_wait3A_245] : memref<128x128xi32, #tpu.memory_space<vmem>> -> memref<1x64xi32, #tpu.memory_space<vmem>>
    %dma_wait3A_247 = tpu.memref_squeeze %dma_wait3A_246 : memref<1x64xi32, #tpu.memory_space<vmem>> -> memref<64xi32, #tpu.memory_space<vmem>>
    %dma_wait3A_248 = arith.constant 0 : i32
    %dma_wait3A_249 = arith.constant 0 : i32
    %dma_wait3A_250 = tpu.memref_slice %arg6[%dma_wait3A_248, %dma_wait3A_249] : memref<3328x128xf32, #tpu.memory_space<vmem_shared>> -> memref<3328x128xf32, #tpu.memory_space<vmem_shared>>
    tpu.wait_indirect_dma semaphore(%arg11 : memref<!tpu.dma_semaphore, #tpu.memory_space<semaphore_mem>>) src(%dma_wait3A_250 : memref<3328x128xf32, #tpu.memory_space<vmem_shared>>) dst(%dma_wait3A_244 : memref<64x128xf32, #tpu.memory_space<vmem>>)
    %add3A_251 = arith.constant 192 : i32
    %add3A_252 = arith.addi %mul3A_73, %add3A_251 : i32
    %dma_start3A_253 = arith.constant 3 : i32
    %dma_start3A_254 = arith.constant 0 : i32
    %dma_start3A_255 = arith.constant 0 : i32
    %dma_start3A_256 = tpu.memref_slice %arg10[%dma_start3A_253, %dma_start3A_254, %dma_start3A_255] : memref<8x64x128xf32, #tpu.memory_space<vmem>> -> memref<1x64x128xf32, #tpu.memory_space<vmem>>
    %dma_start3A_257 = tpu.memref_squeeze %dma_start3A_256 : memref<1x64x128xf32, #tpu.memory_space<vmem>> -> memref<64x128xf32, #tpu.memory_space<vmem>>
    %dma_start3A_258 = arith.constant 0 : i32
    %dma_start3A_259 = tpu.memref_slice %arg5[%add3A_252, %dma_start3A_258] : memref<524288x128xf32, #tpu.memory_space<hbm>> -> memref<64x128xf32, #tpu.memory_space<hbm>>
    %dma_start3A_260 = arith.constant 0 : i32
    %dma_start3A_261 = tpu.memref_slice %arg5[%add3A_252, %dma_start3A_260] : memref<524288x128xf32, #tpu.memory_space<hbm>> -> memref<64x128xf32, #tpu.memory_space<hbm>>
    %dma_start3A_262 = arith.constant 0 : i32
    %dma_start3A_263 = arith.constant 0 : i32
    %dma_start3A_264 = tpu.memref_slice %arg10[%dma_start3A_253, %dma_start3A_262, %dma_start3A_263] : memref<8x64x128xf32, #tpu.memory_space<vmem>> -> memref<1x64x128xf32, #tpu.memory_space<vmem>>
    %dma_start3A_265 = tpu.memref_squeeze %dma_start3A_264 : memref<1x64x128xf32, #tpu.memory_space<vmem>> -> memref<64x128xf32, #tpu.memory_space<vmem>>
    tpu.enqueue_dma source(%dma_start3A_265 : memref<64x128xf32, #tpu.memory_space<vmem>>) target(%dma_start3A_261 : memref<64x128xf32, #tpu.memory_space<hbm>>) target_semaphore(%arg12 : memref<!tpu.dma_semaphore, #tpu.memory_space<semaphore_mem>>)
    %dma_start3A_266 = arith.constant 3 : i32
    %dma_start3A_267 = arith.constant 7 : i32
    %dma_start3A_268 = arith.constant 0 : i32
    %dma_start3A_269 = arith.constant 0 : i32
    %dma_start3A_270 = tpu.memref_slice %arg10[%dma_start3A_267, %dma_start3A_268, %dma_start3A_269] : memref<8x64x128xf32, #tpu.memory_space<vmem>> -> memref<1x64x128xf32, #tpu.memory_space<vmem>>
    %dma_start3A_271 = tpu.memref_squeeze %dma_start3A_270 : memref<1x64x128xf32, #tpu.memory_space<vmem>> -> memref<64x128xf32, #tpu.memory_space<vmem>>
    %dma_start3A_272 = arith.constant 64 : i32
    %dma_start3A_273 = tpu.memref_slice %arg9[%dma_start3A_266, %dma_start3A_272] : memref<128x128xi32, #tpu.memory_space<vmem>> -> memref<1x64xi32, #tpu.memory_space<vmem>>
    %dma_start3A_274 = tpu.memref_squeeze %dma_start3A_273 : memref<1x64xi32, #tpu.memory_space<vmem>> -> memref<64xi32, #tpu.memory_space<vmem>>
    %dma_start3A_275 = arith.constant 0 : i32
    %dma_start3A_276 = arith.constant 0 : i32
    %dma_start3A_277 = tpu.memref_slice %arg6[%dma_start3A_275, %dma_start3A_276] : memref<3328x128xf32, #tpu.memory_space<vmem_shared>> -> memref<3328x128xf32, #tpu.memory_space<vmem_shared>>
    tpu.enqueue_indirect_dma source(%dma_start3A_277 : memref<3328x128xf32, #tpu.memory_space<vmem_shared>>) target(%dma_start3A_271 : memref<64x128xf32, #tpu.memory_space<vmem>>) offsets(%dma_start3A_274 : memref<64xi32, #tpu.memory_space<vmem>>) semaphore(%arg11 : memref<!tpu.dma_semaphore, #tpu.memory_space<semaphore_mem>>)
    %scan3A_278 = arith.constant 0 : i32
    %scan3A_279 = arith.constant 31 : i32
    %scan3A_280 = arith.addi %scan3A_278, %scan3A_279 : i32
    %scan3A_281 = arith.constant 1 : i32
    scf.for %scan3A_511 = %scan3A_278 to %scan3A_280 step %scan3A_281  : i32 {
      %mul3A_512 = arith.constant 8 : i32
      %mul3A_513 = arith.muli %scan3A_511, %mul3A_512 : i32
      %add3A_514 = arith.constant 4 : i32
      %add3A_515 = arith.addi %add3A_514, %mul3A_513 : i32
      %jit3A = arith.constant 2 : i32
      %div3A = arith.divsi %add3A_515, %jit3A : i32
      %sign3A = arith.constant 0 : i32
      %sign3A_516 = arith.cmpi sgt, %add3A_515, %sign3A : i32
      %sign3A_517 = arith.extui %sign3A_516 : i1 to i32
      %sign3A_518 = arith.constant 0 : i32
      %sign3A_519 = arith.cmpi slt, %add3A_515, %sign3A_518 : i32
      %sign3A_520 = arith.extui %sign3A_519 : i1 to i32
      %sign3A_521 = arith.subi %sign3A_517, %sign3A_520 : i32
      %sign3A_522 = arith.constant 0 : i32
      %sign3A_523 = arith.cmpi sgt, %jit3A, %sign3A_522 : i32
      %sign3A_524 = arith.extui %sign3A_523 : i1 to i32
      %sign3A_525 = arith.constant 0 : i32
      %sign3A_526 = arith.cmpi slt, %jit3A, %sign3A_525 : i32
      %sign3A_527 = arith.extui %sign3A_526 : i1 to i32
      %sign3A_528 = arith.subi %sign3A_524, %sign3A_527 : i32
      %ne3A = arith.cmpi ne, %sign3A_521, %sign3A_528 : i32
      %rem3A = arith.remsi %add3A_515, %jit3A : i32
      %ne3A_529 = arith.constant 0 : i32
      %ne3A_530 = arith.cmpi ne, %rem3A, %ne3A_529 : i32
      %and3A = arith.andi %ne3A, %ne3A_530 : i1
      %sub3A = arith.constant 1 : i32
      %sub3A_531 = arith.subi %div3A, %sub3A : i32
      %select_n3A = arith.select %and3A, %sub3A_531, %div3A : i32
      %add3A_532 = arith.constant 0 : i32
      %add3A_533 = arith.addi %add3A_515, %add3A_532 : i32
      %sub3A_534 = arith.constant 4 : i32
      %sub3A_535 = arith.subi %add3A_533, %sub3A_534 : i32
      %mul3A_536 = arith.constant 64 : i32
      %mul3A_537 = arith.muli %sub3A_535, %mul3A_536 : i32
      %add3A_538 = arith.addi %mul3A_73, %mul3A_537 : i32
      %dma_wait3A_539 = arith.constant 0 : i32
      %dma_wait3A_540 = arith.constant 0 : i32
      %dma_wait3A_541 = arith.constant 0 : i32
      %dma_wait3A_542 = tpu.memref_slice %arg10[%dma_wait3A_539, %dma_wait3A_540, %dma_wait3A_541] : memref<8x64x128xf32, #tpu.memory_space<vmem>> -> memref<1x64x128xf32, #tpu.memory_space<vmem>>
      %dma_wait3A_543 = tpu.memref_squeeze %dma_wait3A_542 : memref<1x64x128xf32, #tpu.memory_space<vmem>> -> memref<64x128xf32, #tpu.memory_space<vmem>>
      %dma_wait3A_544 = arith.constant 0 : i32
      %dma_wait3A_545 = tpu.memref_slice %arg5[%add3A_538, %dma_wait3A_544] : memref<524288x128xf32, #tpu.memory_space<hbm>> -> memref<64x128xf32, #tpu.memory_space<hbm>>
      %dma_wait3A_546 = arith.constant 0 : i32
      %dma_wait3A_547 = tpu.memref_slice %arg5[%add3A_538, %dma_wait3A_546] : memref<524288x128xf32, #tpu.memory_space<hbm>> -> memref<64x128xf32, #tpu.memory_space<hbm>>
      %dma_wait3A_548 = arith.constant 0 : i32
      %dma_wait3A_549 = arith.constant 0 : i32
      %dma_wait3A_550 = tpu.memref_slice %arg10[%dma_wait3A_539, %dma_wait3A_548, %dma_wait3A_549] : memref<8x64x128xf32, #tpu.memory_space<vmem>> -> memref<1x64x128xf32, #tpu.memory_space<vmem>>
      %dma_wait3A_551 = tpu.memref_squeeze %dma_wait3A_550 : memref<1x64x128xf32, #tpu.memory_space<vmem>> -> memref<64x128xf32, #tpu.memory_space<vmem>>
      tpu.wait_dma2 semaphore(%arg12 : memref<!tpu.dma_semaphore, #tpu.memory_space<semaphore_mem>>) src(%dma_wait3A_551 : memref<64x128xf32, #tpu.memory_space<vmem>>) dst(%dma_wait3A_547 : memref<64x128xf32, #tpu.memory_space<hbm>>)
      %add3A_552 = arith.constant 2 : i32
      %add3A_553 = arith.addi %select_n3A, %add3A_552 : i32
      %dma_start3A_554 = arith.constant 0 : i32
      %dma_start3A_555 = arith.constant 0 : i32
      %dma_start3A_556 = arith.constant 0 : i32
      %dma_start3A_557 = tpu.memref_slice %arg10[%dma_start3A_554, %dma_start3A_555, %dma_start3A_556] : memref<8x64x128xf32, #tpu.memory_space<vmem>> -> memref<1x64x128xf32, #tpu.memory_space<vmem>>
      %dma_start3A_558 = tpu.memref_squeeze %dma_start3A_557 : memref<1x64x128xf32, #tpu.memory_space<vmem>> -> memref<64x128xf32, #tpu.memory_space<vmem>>
      %dma_start3A_559 = arith.constant 0 : i32
      %dma_start3A_560 = tpu.memref_slice %arg9[%add3A_553, %dma_start3A_559] : memref<128x128xi32, #tpu.memory_space<vmem>> -> memref<1x64xi32, #tpu.memory_space<vmem>>
      %dma_start3A_561 = tpu.memref_squeeze %dma_start3A_560 : memref<1x64xi32, #tpu.memory_space<vmem>> -> memref<64xi32, #tpu.memory_space<vmem>>
      %dma_start3A_562 = arith.constant 0 : i32
      %dma_start3A_563 = arith.constant 0 : i32
      %dma_start3A_564 = tpu.memref_slice %arg6[%dma_start3A_562, %dma_start3A_563] : memref<3328x128xf32, #tpu.memory_space<vmem_shared>> -> memref<3328x128xf32, #tpu.memory_space<vmem_shared>>
      tpu.enqueue_indirect_dma source(%dma_start3A_564 : memref<3328x128xf32, #tpu.memory_space<vmem_shared>>) target(%dma_start3A_558 : memref<64x128xf32, #tpu.memory_space<vmem>>) offsets(%dma_start3A_561 : memref<64xi32, #tpu.memory_space<vmem>>) semaphore(%arg11 : memref<!tpu.dma_semaphore, #tpu.memory_space<semaphore_mem>>)
      %add3A_565 = arith.constant 0 : i32
      %add3A_566 = arith.addi %select_n3A, %add3A_565 : i32
      %dma_wait3A_567 = arith.constant 4 : i32
      %dma_wait3A_568 = arith.constant 0 : i32
      %dma_wait3A_569 = arith.constant 0 : i32
      %dma_wait3A_570 = tpu.memref_slice %arg10[%dma_wait3A_567, %dma_wait3A_568, %dma_wait3A_569] : memref<8x64x128xf32, #tpu.memory_space<vmem>> -> memref<1x64x128xf32, #tpu.memory_space<vmem>>
      %dma_wait3A_571 = tpu.memref_squeeze %dma_wait3A_570 : memref<1x64x128xf32, #tpu.memory_space<vmem>> -> memref<64x128xf32, #tpu.memory_space<vmem>>
      %dma_wait3A_572 = arith.constant 0 : i32
      %dma_wait3A_573 = tpu.memref_slice %arg9[%add3A_566, %dma_wait3A_572] : memref<128x128xi32, #tpu.memory_space<vmem>> -> memref<1x64xi32, #tpu.memory_space<vmem>>
      %dma_wait3A_574 = tpu.memref_squeeze %dma_wait3A_573 : memref<1x64xi32, #tpu.memory_space<vmem>> -> memref<64xi32, #tpu.memory_space<vmem>>
      %dma_wait3A_575 = arith.constant 0 : i32
      %dma_wait3A_576 = arith.constant 0 : i32
      %dma_wait3A_577 = tpu.memref_slice %arg6[%dma_wait3A_575, %dma_wait3A_576] : memref<3328x128xf32, #tpu.memory_space<vmem_shared>> -> memref<3328x128xf32, #tpu.memory_space<vmem_shared>>
      tpu.wait_indirect_dma semaphore(%arg11 : memref<!tpu.dma_semaphore, #tpu.memory_space<semaphore_mem>>) src(%dma_wait3A_577 : memref<3328x128xf32, #tpu.memory_space<vmem_shared>>) dst(%dma_wait3A_571 : memref<64x128xf32, #tpu.memory_space<vmem>>)
      %mul3A_578 = arith.constant 64 : i32
      %mul3A_579 = arith.muli %add3A_533, %mul3A_578 : i32
      %add3A_580 = arith.addi %mul3A_73, %mul3A_579 : i32
      %dma_start3A_581 = arith.constant 4 : i32
      %dma_start3A_582 = arith.constant 0 : i32
      %dma_start3A_583 = arith.constant 0 : i32
      %dma_start3A_584 = tpu.memref_slice %arg10[%dma_start3A_581, %dma_start3A_582, %dma_start3A_583] : memref<8x64x128xf32, #tpu.memory_space<vmem>> -> memref<1x64x128xf32, #tpu.memory_space<vmem>>
      %dma_start3A_585 = tpu.memref_squeeze %dma_start3A_584 : memref<1x64x128xf32, #tpu.memory_space<vmem>> -> memref<64x128xf32, #tpu.memory_space<vmem>>
      %dma_start3A_586 = arith.constant 0 : i32
      %dma_start3A_587 = tpu.memref_slice %arg5[%add3A_580, %dma_start3A_586] : memref<524288x128xf32, #tpu.memory_space<hbm>> -> memref<64x128xf32, #tpu.memory_space<hbm>>
      %dma_start3A_588 = arith.constant 0 : i32
      %dma_start3A_589 = tpu.memref_slice %arg5[%add3A_580, %dma_start3A_588] : memref<524288x128xf32, #tpu.memory_space<hbm>> -> memref<64x128xf32, #tpu.memory_space<hbm>>
      %dma_start3A_590 = arith.constant 0 : i32
      %dma_start3A_591 = arith.constant 0 : i32
      %dma_start3A_592 = tpu.memref_slice %arg10[%dma_start3A_581, %dma_start3A_590, %dma_start3A_591] : memref<8x64x128xf32, #tpu.memory_space<vmem>> -> memref<1x64x128xf32, #tpu.memory_space<vmem>>
      %dma_start3A_593 = tpu.memref_squeeze %dma_start3A_592 : memref<1x64x128xf32, #tpu.memory_space<vmem>> -> memref<64x128xf32, #tpu.memory_space<vmem>>
      tpu.enqueue_dma source(%dma_start3A_593 : memref<64x128xf32, #tpu.memory_space<vmem>>) target(%dma_start3A_589 : memref<64x128xf32, #tpu.memory_space<hbm>>) target_semaphore(%arg12 : memref<!tpu.dma_semaphore, #tpu.memory_space<semaphore_mem>>)
      %add3A_594 = arith.constant 1 : i32
      %add3A_595 = arith.addi %add3A_515, %add3A_594 : i32
      %sub3A_596 = arith.constant 4 : i32
      %sub3A_597 = arith.subi %add3A_595, %sub3A_596 : i32
      %mul3A_598 = arith.constant 64 : i32
      %mul3A_599 = arith.muli %sub3A_597, %mul3A_598 : i32
      %add3A_600 = arith.addi %mul3A_73, %mul3A_599 : i32
      %dma_wait3A_601 = arith.constant 1 : i32
      %dma_wait3A_602 = arith.constant 0 : i32
      %dma_wait3A_603 = arith.constant 0 : i32
      %dma_wait3A_604 = tpu.memref_slice %arg10[%dma_wait3A_601, %dma_wait3A_602, %dma_wait3A_603] : memref<8x64x128xf32, #tpu.memory_space<vmem>> -> memref<1x64x128xf32, #tpu.memory_space<vmem>>
      %dma_wait3A_605 = tpu.memref_squeeze %dma_wait3A_604 : memref<1x64x128xf32, #tpu.memory_space<vmem>> -> memref<64x128xf32, #tpu.memory_space<vmem>>
      %dma_wait3A_606 = arith.constant 0 : i32
      %dma_wait3A_607 = tpu.memref_slice %arg5[%add3A_600, %dma_wait3A_606] : memref<524288x128xf32, #tpu.memory_space<hbm>> -> memref<64x128xf32, #tpu.memory_space<hbm>>
      %dma_wait3A_608 = arith.constant 0 : i32
      %dma_wait3A_609 = tpu.memref_slice %arg5[%add3A_600, %dma_wait3A_608] : memref<524288x128xf32, #tpu.memory_space<hbm>> -> memref<64x128xf32, #tpu.memory_space<hbm>>
      %dma_wait3A_610 = arith.constant 0 : i32
      %dma_wait3A_611 = arith.constant 0 : i32
      %dma_wait3A_612 = tpu.memref_slice %arg10[%dma_wait3A_601, %dma_wait3A_610, %dma_wait3A_611] : memref<8x64x128xf32, #tpu.memory_space<vmem>> -> memref<1x64x128xf32, #tpu.memory_space<vmem>>
      %dma_wait3A_613 = tpu.memref_squeeze %dma_wait3A_612 : memref<1x64x128xf32, #tpu.memory_space<vmem>> -> memref<64x128xf32, #tpu.memory_space<vmem>>
      tpu.wait_dma2 semaphore(%arg12 : memref<!tpu.dma_semaphore, #tpu.memory_space<semaphore_mem>>) src(%dma_wait3A_613 : memref<64x128xf32, #tpu.memory_space<vmem>>) dst(%dma_wait3A_609 : memref<64x128xf32, #tpu.memory_space<hbm>>)
      %add3A_614 = arith.constant 2 : i32
      %add3A_615 = arith.addi %select_n3A, %add3A_614 : i32
      %dma_start3A_616 = arith.constant 1 : i32
      %dma_start3A_617 = arith.constant 0 : i32
      %dma_start3A_618 = arith.constant 0 : i32
      %dma_start3A_619 = tpu.memref_slice %arg10[%dma_start3A_616, %dma_start3A_617, %dma_start3A_618] : memref<8x64x128xf32, #tpu.memory_space<vmem>> -> memref<1x64x128xf32, #tpu.memory_space<vmem>>
      %dma_start3A_620 = tpu.memref_squeeze %dma_start3A_619 : memref<1x64x128xf32, #tpu.memory_space<vmem>> -> memref<64x128xf32, #tpu.memory_space<vmem>>
      %dma_start3A_621 = arith.constant 64 : i32
      %dma_start3A_622 = tpu.memref_slice %arg9[%add3A_615, %dma_start3A_621] : memref<128x128xi32, #tpu.memory_space<vmem>> -> memref<1x64xi32, #tpu.memory_space<vmem>>
      %dma_start3A_623 = tpu.memref_squeeze %dma_start3A_622 : memref<1x64xi32, #tpu.memory_space<vmem>> -> memref<64xi32, #tpu.memory_space<vmem>>
      %dma_start3A_624 = arith.constant 0 : i32
      %dma_start3A_625 = arith.constant 0 : i32
      %dma_start3A_626 = tpu.memref_slice %arg6[%dma_start3A_624, %dma_start3A_625] : memref<3328x128xf32, #tpu.memory_space<vmem_shared>> -> memref<3328x128xf32, #tpu.memory_space<vmem_shared>>
      tpu.enqueue_indirect_dma source(%dma_start3A_626 : memref<3328x128xf32, #tpu.memory_space<vmem_shared>>) target(%dma_start3A_620 : memref<64x128xf32, #tpu.memory_space<vmem>>) offsets(%dma_start3A_623 : memref<64xi32, #tpu.memory_space<vmem>>) semaphore(%arg11 : memref<!tpu.dma_semaphore, #tpu.memory_space<semaphore_mem>>)
      %add3A_627 = arith.constant 0 : i32
      %add3A_628 = arith.addi %select_n3A, %add3A_627 : i32
      %dma_wait3A_629 = arith.constant 5 : i32
      %dma_wait3A_630 = arith.constant 0 : i32
      %dma_wait3A_631 = arith.constant 0 : i32
      %dma_wait3A_632 = tpu.memref_slice %arg10[%dma_wait3A_629, %dma_wait3A_630, %dma_wait3A_631] : memref<8x64x128xf32, #tpu.memory_space<vmem>> -> memref<1x64x128xf32, #tpu.memory_space<vmem>>
      %dma_wait3A_633 = tpu.memref_squeeze %dma_wait3A_632 : memref<1x64x128xf32, #tpu.memory_space<vmem>> -> memref<64x128xf32, #tpu.memory_space<vmem>>
      %dma_wait3A_634 = arith.constant 64 : i32
      %dma_wait3A_635 = tpu.memref_slice %arg9[%add3A_628, %dma_wait3A_634] : memref<128x128xi32, #tpu.memory_space<vmem>> -> memref<1x64xi32, #tpu.memory_space<vmem>>
      %dma_wait3A_636 = tpu.memref_squeeze %dma_wait3A_635 : memref<1x64xi32, #tpu.memory_space<vmem>> -> memref<64xi32, #tpu.memory_space<vmem>>
      %dma_wait3A_637 = arith.constant 0 : i32
      %dma_wait3A_638 = arith.constant 0 : i32
      %dma_wait3A_639 = tpu.memref_slice %arg6[%dma_wait3A_637, %dma_wait3A_638] : memref<3328x128xf32, #tpu.memory_space<vmem_shared>> -> memref<3328x128xf32, #tpu.memory_space<vmem_shared>>
      tpu.wait_indirect_dma semaphore(%arg11 : memref<!tpu.dma_semaphore, #tpu.memory_space<semaphore_mem>>) src(%dma_wait3A_639 : memref<3328x128xf32, #tpu.memory_space<vmem_shared>>) dst(%dma_wait3A_633 : memref<64x128xf32, #tpu.memory_space<vmem>>)
      %mul3A_640 = arith.constant 64 : i32
      %mul3A_641 = arith.muli %add3A_595, %mul3A_640 : i32
      %add3A_642 = arith.addi %mul3A_73, %mul3A_641 : i32
      %dma_start3A_643 = arith.constant 5 : i32
      %dma_start3A_644 = arith.constant 0 : i32
      %dma_start3A_645 = arith.constant 0 : i32
      %dma_start3A_646 = tpu.memref_slice %arg10[%dma_start3A_643, %dma_start3A_644, %dma_start3A_645] : memref<8x64x128xf32, #tpu.memory_space<vmem>> -> memref<1x64x128xf32, #tpu.memory_space<vmem>>
      %dma_start3A_647 = tpu.memref_squeeze %dma_start3A_646 : memref<1x64x128xf32, #tpu.memory_space<vmem>> -> memref<64x128xf32, #tpu.memory_space<vmem>>
      %dma_start3A_648 = arith.constant 0 : i32
      %dma_start3A_649 = tpu.memref_slice %arg5[%add3A_642, %dma_start3A_648] : memref<524288x128xf32, #tpu.memory_space<hbm>> -> memref<64x128xf32, #tpu.memory_space<hbm>>
      %dma_start3A_650 = arith.constant 0 : i32
      %dma_start3A_651 = tpu.memref_slice %arg5[%add3A_642, %dma_start3A_650] : memref<524288x128xf32, #tpu.memory_space<hbm>> -> memref<64x128xf32, #tpu.memory_space<hbm>>
      %dma_start3A_652 = arith.constant 0 : i32
      %dma_start3A_653 = arith.constant 0 : i32
      %dma_start3A_654 = tpu.memref_slice %arg10[%dma_start3A_643, %dma_start3A_652, %dma_start3A_653] : memref<8x64x128xf32, #tpu.memory_space<vmem>> -> memref<1x64x128xf32, #tpu.memory_space<vmem>>
      %dma_start3A_655 = tpu.memref_squeeze %dma_start3A_654 : memref<1x64x128xf32, #tpu.memory_space<vmem>> -> memref<64x128xf32, #tpu.memory_space<vmem>>
      tpu.enqueue_dma source(%dma_start3A_655 : memref<64x128xf32, #tpu.memory_space<vmem>>) target(%dma_start3A_651 : memref<64x128xf32, #tpu.memory_space<hbm>>) target_semaphore(%arg12 : memref<!tpu.dma_semaphore, #tpu.memory_space<semaphore_mem>>)
      %add3A_656 = arith.constant 2 : i32
      %add3A_657 = arith.addi %add3A_515, %add3A_656 : i32
      %sub3A_658 = arith.constant 4 : i32
      %sub3A_659 = arith.subi %add3A_657, %sub3A_658 : i32
      %mul3A_660 = arith.constant 64 : i32
      %mul3A_661 = arith.muli %sub3A_659, %mul3A_660 : i32
      %add3A_662 = arith.addi %mul3A_73, %mul3A_661 : i32
      %dma_wait3A_663 = arith.constant 2 : i32
      %dma_wait3A_664 = arith.constant 0 : i32
      %dma_wait3A_665 = arith.constant 0 : i32
      %dma_wait3A_666 = tpu.memref_slice %arg10[%dma_wait3A_663, %dma_wait3A_664, %dma_wait3A_665] : memref<8x64x128xf32, #tpu.memory_space<vmem>> -> memref<1x64x128xf32, #tpu.memory_space<vmem>>
      %dma_wait3A_667 = tpu.memref_squeeze %dma_wait3A_666 : memref<1x64x128xf32, #tpu.memory_space<vmem>> -> memref<64x128xf32, #tpu.memory_space<vmem>>
      %dma_wait3A_668 = arith.constant 0 : i32
      %dma_wait3A_669 = tpu.memref_slice %arg5[%add3A_662, %dma_wait3A_668] : memref<524288x128xf32, #tpu.memory_space<hbm>> -> memref<64x128xf32, #tpu.memory_space<hbm>>
      %dma_wait3A_670 = arith.constant 0 : i32
      %dma_wait3A_671 = tpu.memref_slice %arg5[%add3A_662, %dma_wait3A_670] : memref<524288x128xf32, #tpu.memory_space<hbm>> -> memref<64x128xf32, #tpu.memory_space<hbm>>
      %dma_wait3A_672 = arith.constant 0 : i32
      %dma_wait3A_673 = arith.constant 0 : i32
      %dma_wait3A_674 = tpu.memref_slice %arg10[%dma_wait3A_663, %dma_wait3A_672, %dma_wait3A_673] : memref<8x64x128xf32, #tpu.memory_space<vmem>> -> memref<1x64x128xf32, #tpu.memory_space<vmem>>
      %dma_wait3A_675 = tpu.memref_squeeze %dma_wait3A_674 : memref<1x64x128xf32, #tpu.memory_space<vmem>> -> memref<64x128xf32, #tpu.memory_space<vmem>>
      tpu.wait_dma2 semaphore(%arg12 : memref<!tpu.dma_semaphore, #tpu.memory_space<semaphore_mem>>) src(%dma_wait3A_675 : memref<64x128xf32, #tpu.memory_space<vmem>>) dst(%dma_wait3A_671 : memref<64x128xf32, #tpu.memory_space<hbm>>)
      %add3A_676 = arith.constant 3 : i32
      %add3A_677 = arith.addi %select_n3A, %add3A_676 : i32
      %dma_start3A_678 = arith.constant 2 : i32
      %dma_start3A_679 = arith.constant 0 : i32
      %dma_start3A_680 = arith.constant 0 : i32
      %dma_start3A_681 = tpu.memref_slice %arg10[%dma_start3A_678, %dma_start3A_679, %dma_start3A_680] : memref<8x64x128xf32, #tpu.memory_space<vmem>> -> memref<1x64x128xf32, #tpu.memory_space<vmem>>
      %dma_start3A_682 = tpu.memref_squeeze %dma_start3A_681 : memref<1x64x128xf32, #tpu.memory_space<vmem>> -> memref<64x128xf32, #tpu.memory_space<vmem>>
      %dma_start3A_683 = arith.constant 0 : i32
      %dma_start3A_684 = tpu.memref_slice %arg9[%add3A_677, %dma_start3A_683] : memref<128x128xi32, #tpu.memory_space<vmem>> -> memref<1x64xi32, #tpu.memory_space<vmem>>
      %dma_start3A_685 = tpu.memref_squeeze %dma_start3A_684 : memref<1x64xi32, #tpu.memory_space<vmem>> -> memref<64xi32, #tpu.memory_space<vmem>>
      %dma_start3A_686 = arith.constant 0 : i32
      %dma_start3A_687 = arith.constant 0 : i32
      %dma_start3A_688 = tpu.memref_slice %arg6[%dma_start3A_686, %dma_start3A_687] : memref<3328x128xf32, #tpu.memory_space<vmem_shared>> -> memref<3328x128xf32, #tpu.memory_space<vmem_shared>>
      tpu.enqueue_indirect_dma source(%dma_start3A_688 : memref<3328x128xf32, #tpu.memory_space<vmem_shared>>) target(%dma_start3A_682 : memref<64x128xf32, #tpu.memory_space<vmem>>) offsets(%dma_start3A_685 : memref<64xi32, #tpu.memory_space<vmem>>) semaphore(%arg11 : memref<!tpu.dma_semaphore, #tpu.memory_space<semaphore_mem>>)
      %add3A_689 = arith.constant 1 : i32
      %add3A_690 = arith.addi %select_n3A, %add3A_689 : i32
      %dma_wait3A_691 = arith.constant 6 : i32
      %dma_wait3A_692 = arith.constant 0 : i32
      %dma_wait3A_693 = arith.constant 0 : i32
      %dma_wait3A_694 = tpu.memref_slice %arg10[%dma_wait3A_691, %dma_wait3A_692, %dma_wait3A_693] : memref<8x64x128xf32, #tpu.memory_space<vmem>> -> memref<1x64x128xf32, #tpu.memory_space<vmem>>
      %dma_wait3A_695 = tpu.memref_squeeze %dma_wait3A_694 : memref<1x64x128xf32, #tpu.memory_space<vmem>> -> memref<64x128xf32, #tpu.memory_space<vmem>>
      %dma_wait3A_696 = arith.constant 0 : i32
      %dma_wait3A_697 = tpu.memref_slice %arg9[%add3A_690, %dma_wait3A_696] : memref<128x128xi32, #tpu.memory_space<vmem>> -> memref<1x64xi32, #tpu.memory_space<vmem>>
      %dma_wait3A_698 = tpu.memref_squeeze %dma_wait3A_697 : memref<1x64xi32, #tpu.memory_space<vmem>> -> memref<64xi32, #tpu.memory_space<vmem>>
      %dma_wait3A_699 = arith.constant 0 : i32
      %dma_wait3A_700 = arith.constant 0 : i32
      %dma_wait3A_701 = tpu.memref_slice %arg6[%dma_wait3A_699, %dma_wait3A_700] : memref<3328x128xf32, #tpu.memory_space<vmem_shared>> -> memref<3328x128xf32, #tpu.memory_space<vmem_shared>>
      tpu.wait_indirect_dma semaphore(%arg11 : memref<!tpu.dma_semaphore, #tpu.memory_space<semaphore_mem>>) src(%dma_wait3A_701 : memref<3328x128xf32, #tpu.memory_space<vmem_shared>>) dst(%dma_wait3A_695 : memref<64x128xf32, #tpu.memory_space<vmem>>)
      %mul3A_702 = arith.constant 64 : i32
      %mul3A_703 = arith.muli %add3A_657, %mul3A_702 : i32
      %add3A_704 = arith.addi %mul3A_73, %mul3A_703 : i32
      %dma_start3A_705 = arith.constant 6 : i32
      %dma_start3A_706 = arith.constant 0 : i32
      %dma_start3A_707 = arith.constant 0 : i32
      %dma_start3A_708 = tpu.memref_slice %arg10[%dma_start3A_705, %dma_start3A_706, %dma_start3A_707] : memref<8x64x128xf32, #tpu.memory_space<vmem>> -> memref<1x64x128xf32, #tpu.memory_space<vmem>>
      %dma_start3A_709 = tpu.memref_squeeze %dma_start3A_708 : memref<1x64x128xf32, #tpu.memory_space<vmem>> -> memref<64x128xf32, #tpu.memory_space<vmem>>
      %dma_start3A_710 = arith.constant 0 : i32
      %dma_start3A_711 = tpu.memref_slice %arg5[%add3A_704, %dma_start3A_710] : memref<524288x128xf32, #tpu.memory_space<hbm>> -> memref<64x128xf32, #tpu.memory_space<hbm>>
      %dma_start3A_712 = arith.constant 0 : i32
      %dma_start3A_713 = tpu.memref_slice %arg5[%add3A_704, %dma_start3A_712] : memref<524288x128xf32, #tpu.memory_space<hbm>> -> memref<64x128xf32, #tpu.memory_space<hbm>>
      %dma_start3A_714 = arith.constant 0 : i32
      %dma_start3A_715 = arith.constant 0 : i32
      %dma_start3A_716 = tpu.memref_slice %arg10[%dma_start3A_705, %dma_start3A_714, %dma_start3A_715] : memref<8x64x128xf32, #tpu.memory_space<vmem>> -> memref<1x64x128xf32, #tpu.memory_space<vmem>>
      %dma_start3A_717 = tpu.memref_squeeze %dma_start3A_716 : memref<1x64x128xf32, #tpu.memory_space<vmem>> -> memref<64x128xf32, #tpu.memory_space<vmem>>
      tpu.enqueue_dma source(%dma_start3A_717 : memref<64x128xf32, #tpu.memory_space<vmem>>) target(%dma_start3A_713 : memref<64x128xf32, #tpu.memory_space<hbm>>) target_semaphore(%arg12 : memref<!tpu.dma_semaphore, #tpu.memory_space<semaphore_mem>>)
      %add3A_718 = arith.constant 3 : i32
      %add3A_719 = arith.addi %add3A_515, %add3A_718 : i32
      %sub3A_720 = arith.constant 4 : i32
      %sub3A_721 = arith.subi %add3A_719, %sub3A_720 : i32
      %mul3A_722 = arith.constant 64 : i32
      %mul3A_723 = arith.muli %sub3A_721, %mul3A_722 : i32
      %add3A_724 = arith.addi %mul3A_73, %mul3A_723 : i32
      %dma_wait3A_725 = arith.constant 3 : i32
      %dma_wait3A_726 = arith.constant 0 : i32
      %dma_wait3A_727 = arith.constant 0 : i32
      %dma_wait3A_728 = tpu.memref_slice %arg10[%dma_wait3A_725, %dma_wait3A_726, %dma_wait3A_727] : memref<8x64x128xf32, #tpu.memory_space<vmem>> -> memref<1x64x128xf32, #tpu.memory_space<vmem>>
      %dma_wait3A_729 = tpu.memref_squeeze %dma_wait3A_728 : memref<1x64x128xf32, #tpu.memory_space<vmem>> -> memref<64x128xf32, #tpu.memory_space<vmem>>
      %dma_wait3A_730 = arith.constant 0 : i32
      %dma_wait3A_731 = tpu.memref_slice %arg5[%add3A_724, %dma_wait3A_730] : memref<524288x128xf32, #tpu.memory_space<hbm>> -> memref<64x128xf32, #tpu.memory_space<hbm>>
      %dma_wait3A_732 = arith.constant 0 : i32
      %dma_wait3A_733 = tpu.memref_slice %arg5[%add3A_724, %dma_wait3A_732] : memref<524288x128xf32, #tpu.memory_space<hbm>> -> memref<64x128xf32, #tpu.memory_space<hbm>>
      %dma_wait3A_734 = arith.constant 0 : i32
      %dma_wait3A_735 = arith.constant 0 : i32
      %dma_wait3A_736 = tpu.memref_slice %arg10[%dma_wait3A_725, %dma_wait3A_734, %dma_wait3A_735] : memref<8x64x128xf32, #tpu.memory_space<vmem>> -> memref<1x64x128xf32, #tpu.memory_space<vmem>>
      %dma_wait3A_737 = tpu.memref_squeeze %dma_wait3A_736 : memref<1x64x128xf32, #tpu.memory_space<vmem>> -> memref<64x128xf32, #tpu.memory_space<vmem>>
      tpu.wait_dma2 semaphore(%arg12 : memref<!tpu.dma_semaphore, #tpu.memory_space<semaphore_mem>>) src(%dma_wait3A_737 : memref<64x128xf32, #tpu.memory_space<vmem>>) dst(%dma_wait3A_733 : memref<64x128xf32, #tpu.memory_space<hbm>>)
      %add3A_738 = arith.constant 3 : i32
      %add3A_739 = arith.addi %select_n3A, %add3A_738 : i32
      %dma_start3A_740 = arith.constant 3 : i32
      %dma_start3A_741 = arith.constant 0 : i32
      %dma_start3A_742 = arith.constant 0 : i32
      %dma_start3A_743 = tpu.memref_slice %arg10[%dma_start3A_740, %dma_start3A_741, %dma_start3A_742] : memref<8x64x128xf32, #tpu.memory_space<vmem>> -> memref<1x64x128xf32, #tpu.memory_space<vmem>>
      %dma_start3A_744 = tpu.memref_squeeze %dma_start3A_743 : memref<1x64x128xf32, #tpu.memory_space<vmem>> -> memref<64x128xf32, #tpu.memory_space<vmem>>
      %dma_start3A_745 = arith.constant 64 : i32
      %dma_start3A_746 = tpu.memref_slice %arg9[%add3A_739, %dma_start3A_745] : memref<128x128xi32, #tpu.memory_space<vmem>> -> memref<1x64xi32, #tpu.memory_space<vmem>>
      %dma_start3A_747 = tpu.memref_squeeze %dma_start3A_746 : memref<1x64xi32, #tpu.memory_space<vmem>> -> memref<64xi32, #tpu.memory_space<vmem>>
      %dma_start3A_748 = arith.constant 0 : i32
      %dma_start3A_749 = arith.constant 0 : i32
      %dma_start3A_750 = tpu.memref_slice %arg6[%dma_start3A_748, %dma_start3A_749] : memref<3328x128xf32, #tpu.memory_space<vmem_shared>> -> memref<3328x128xf32, #tpu.memory_space<vmem_shared>>
      tpu.enqueue_indirect_dma source(%dma_start3A_750 : memref<3328x128xf32, #tpu.memory_space<vmem_shared>>) target(%dma_start3A_744 : memref<64x128xf32, #tpu.memory_space<vmem>>) offsets(%dma_start3A_747 : memref<64xi32, #tpu.memory_space<vmem>>) semaphore(%arg11 : memref<!tpu.dma_semaphore, #tpu.memory_space<semaphore_mem>>)
      %add3A_751 = arith.constant 1 : i32
      %add3A_752 = arith.addi %select_n3A, %add3A_751 : i32
      %dma_wait3A_753 = arith.constant 7 : i32
      %dma_wait3A_754 = arith.constant 0 : i32
      %dma_wait3A_755 = arith.constant 0 : i32
      %dma_wait3A_756 = tpu.memref_slice %arg10[%dma_wait3A_753, %dma_wait3A_754, %dma_wait3A_755] : memref<8x64x128xf32, #tpu.memory_space<vmem>> -> memref<1x64x128xf32, #tpu.memory_space<vmem>>
      %dma_wait3A_757 = tpu.memref_squeeze %dma_wait3A_756 : memref<1x64x128xf32, #tpu.memory_space<vmem>> -> memref<64x128xf32, #tpu.memory_space<vmem>>
      %dma_wait3A_758 = arith.constant 64 : i32
      %dma_wait3A_759 = tpu.memref_slice %arg9[%add3A_752, %dma_wait3A_758] : memref<128x128xi32, #tpu.memory_space<vmem>> -> memref<1x64xi32, #tpu.memory_space<vmem>>
      %dma_wait3A_760 = tpu.memref_squeeze %dma_wait3A_759 : memref<1x64xi32, #tpu.memory_space<vmem>> -> memref<64xi32, #tpu.memory_space<vmem>>
      %dma_wait3A_761 = arith.constant 0 : i32
      %dma_wait3A_762 = arith.constant 0 : i32
      %dma_wait3A_763 = tpu.memref_slice %arg6[%dma_wait3A_761, %dma_wait3A_762] : memref<3328x128xf32, #tpu.memory_space<vmem_shared>> -> memref<3328x128xf32, #tpu.memory_space<vmem_shared>>
      tpu.wait_indirect_dma semaphore(%arg11 : memref<!tpu.dma_semaphore, #tpu.memory_space<semaphore_mem>>) src(%dma_wait3A_763 : memref<3328x128xf32, #tpu.memory_space<vmem_shared>>) dst(%dma_wait3A_757 : memref<64x128xf32, #tpu.memory_space<vmem>>)
      %mul3A_764 = arith.constant 64 : i32
      %mul3A_765 = arith.muli %add3A_719, %mul3A_764 : i32
      %add3A_766 = arith.addi %mul3A_73, %mul3A_765 : i32
      %dma_start3A_767 = arith.constant 7 : i32
      %dma_start3A_768 = arith.constant 0 : i32
      %dma_start3A_769 = arith.constant 0 : i32
      %dma_start3A_770 = tpu.memref_slice %arg10[%dma_start3A_767, %dma_start3A_768, %dma_start3A_769] : memref<8x64x128xf32, #tpu.memory_space<vmem>> -> memref<1x64x128xf32, #tpu.memory_space<vmem>>
      %dma_start3A_771 = tpu.memref_squeeze %dma_start3A_770 : memref<1x64x128xf32, #tpu.memory_space<vmem>> -> memref<64x128xf32, #tpu.memory_space<vmem>>
      %dma_start3A_772 = arith.constant 0 : i32
      %dma_start3A_773 = tpu.memref_slice %arg5[%add3A_766, %dma_start3A_772] : memref<524288x128xf32, #tpu.memory_space<hbm>> -> memref<64x128xf32, #tpu.memory_space<hbm>>
      %dma_start3A_774 = arith.constant 0 : i32
      %dma_start3A_775 = tpu.memref_slice %arg5[%add3A_766, %dma_start3A_774] : memref<524288x128xf32, #tpu.memory_space<hbm>> -> memref<64x128xf32, #tpu.memory_space<hbm>>
      %dma_start3A_776 = arith.constant 0 : i32
      %dma_start3A_777 = arith.constant 0 : i32
      %dma_start3A_778 = tpu.memref_slice %arg10[%dma_start3A_767, %dma_start3A_776, %dma_start3A_777] : memref<8x64x128xf32, #tpu.memory_space<vmem>> -> memref<1x64x128xf32, #tpu.memory_space<vmem>>
      %dma_start3A_779 = tpu.memref_squeeze %dma_start3A_778 : memref<1x64x128xf32, #tpu.memory_space<vmem>> -> memref<64x128xf32, #tpu.memory_space<vmem>>
      tpu.enqueue_dma source(%dma_start3A_779 : memref<64x128xf32, #tpu.memory_space<vmem>>) target(%dma_start3A_775 : memref<64x128xf32, #tpu.memory_space<hbm>>) target_semaphore(%arg12 : memref<!tpu.dma_semaphore, #tpu.memory_space<semaphore_mem>>)
      %add3A_780 = arith.constant 4 : i32
      %add3A_781 = arith.addi %add3A_515, %add3A_780 : i32
      %sub3A_782 = arith.constant 4 : i32
      %sub3A_783 = arith.subi %add3A_781, %sub3A_782 : i32
      %mul3A_784 = arith.constant 64 : i32
      %mul3A_785 = arith.muli %sub3A_783, %mul3A_784 : i32
      %add3A_786 = arith.addi %mul3A_73, %mul3A_785 : i32
      %dma_wait3A_787 = arith.constant 4 : i32
      %dma_wait3A_788 = arith.constant 0 : i32
      %dma_wait3A_789 = arith.constant 0 : i32
      %dma_wait3A_790 = tpu.memref_slice %arg10[%dma_wait3A_787, %dma_wait3A_788, %dma_wait3A_789] : memref<8x64x128xf32, #tpu.memory_space<vmem>> -> memref<1x64x128xf32, #tpu.memory_space<vmem>>
      %dma_wait3A_791 = tpu.memref_squeeze %dma_wait3A_790 : memref<1x64x128xf32, #tpu.memory_space<vmem>> -> memref<64x128xf32, #tpu.memory_space<vmem>>
      %dma_wait3A_792 = arith.constant 0 : i32
      %dma_wait3A_793 = tpu.memref_slice %arg5[%add3A_786, %dma_wait3A_792] : memref<524288x128xf32, #tpu.memory_space<hbm>> -> memref<64x128xf32, #tpu.memory_space<hbm>>
      %dma_wait3A_794 = arith.constant 0 : i32
      %dma_wait3A_795 = tpu.memref_slice %arg5[%add3A_786, %dma_wait3A_794] : memref<524288x128xf32, #tpu.memory_space<hbm>> -> memref<64x128xf32, #tpu.memory_space<hbm>>
      %dma_wait3A_796 = arith.constant 0 : i32
      %dma_wait3A_797 = arith.constant 0 : i32
      %dma_wait3A_798 = tpu.memref_slice %arg10[%dma_wait3A_787, %dma_wait3A_796, %dma_wait3A_797] : memref<8x64x128xf32, #tpu.memory_space<vmem>> -> memref<1x64x128xf32, #tpu.memory_space<vmem>>
      %dma_wait3A_799 = tpu.memref_squeeze %dma_wait3A_798 : memref<1x64x128xf32, #tpu.memory_space<vmem>> -> memref<64x128xf32, #tpu.memory_space<vmem>>
      tpu.wait_dma2 semaphore(%arg12 : memref<!tpu.dma_semaphore, #tpu.memory_space<semaphore_mem>>) src(%dma_wait3A_799 : memref<64x128xf32, #tpu.memory_space<vmem>>) dst(%dma_wait3A_795 : memref<64x128xf32, #tpu.memory_space<hbm>>)
      %add3A_800 = arith.constant 4 : i32
      %add3A_801 = arith.addi %select_n3A, %add3A_800 : i32
      %dma_start3A_802 = arith.constant 4 : i32
      %dma_start3A_803 = arith.constant 0 : i32
      %dma_start3A_804 = arith.constant 0 : i32
      %dma_start3A_805 = tpu.memref_slice %arg10[%dma_start3A_802, %dma_start3A_803, %dma_start3A_804] : memref<8x64x128xf32, #tpu.memory_space<vmem>> -> memref<1x64x128xf32, #tpu.memory_space<vmem>>
      %dma_start3A_806 = tpu.memref_squeeze %dma_start3A_805 : memref<1x64x128xf32, #tpu.memory_space<vmem>> -> memref<64x128xf32, #tpu.memory_space<vmem>>
      %dma_start3A_807 = arith.constant 0 : i32
      %dma_start3A_808 = tpu.memref_slice %arg9[%add3A_801, %dma_start3A_807] : memref<128x128xi32, #tpu.memory_space<vmem>> -> memref<1x64xi32, #tpu.memory_space<vmem>>
      %dma_start3A_809 = tpu.memref_squeeze %dma_start3A_808 : memref<1x64xi32, #tpu.memory_space<vmem>> -> memref<64xi32, #tpu.memory_space<vmem>>
      %dma_start3A_810 = arith.constant 0 : i32
      %dma_start3A_811 = arith.constant 0 : i32
      %dma_start3A_812 = tpu.memref_slice %arg6[%dma_start3A_810, %dma_start3A_811] : memref<3328x128xf32, #tpu.memory_space<vmem_shared>> -> memref<3328x128xf32, #tpu.memory_space<vmem_shared>>
      tpu.enqueue_indirect_dma source(%dma_start3A_812 : memref<3328x128xf32, #tpu.memory_space<vmem_shared>>) target(%dma_start3A_806 : memref<64x128xf32, #tpu.memory_space<vmem>>) offsets(%dma_start3A_809 : memref<64xi32, #tpu.memory_space<vmem>>) semaphore(%arg11 : memref<!tpu.dma_semaphore, #tpu.memory_space<semaphore_mem>>)
      %add3A_813 = arith.constant 2 : i32
      %add3A_814 = arith.addi %select_n3A, %add3A_813 : i32
      %dma_wait3A_815 = arith.constant 0 : i32
      %dma_wait3A_816 = arith.constant 0 : i32
      %dma_wait3A_817 = arith.constant 0 : i32
      %dma_wait3A_818 = tpu.memref_slice %arg10[%dma_wait3A_815, %dma_wait3A_816, %dma_wait3A_817] : memref<8x64x128xf32, #tpu.memory_space<vmem>> -> memref<1x64x128xf32, #tpu.memory_space<vmem>>
      %dma_wait3A_819 = tpu.memref_squeeze %dma_wait3A_818 : memref<1x64x128xf32, #tpu.memory_space<vmem>> -> memref<64x128xf32, #tpu.memory_space<vmem>>
      %dma_wait3A_820 = arith.constant 0 : i32
      %dma_wait3A_821 = tpu.memref_slice %arg9[%add3A_814, %dma_wait3A_820] : memref<128x128xi32, #tpu.memory_space<vmem>> -> memref<1x64xi32, #tpu.memory_space<vmem>>
      %dma_wait3A_822 = tpu.memref_squeeze %dma_wait3A_821 : memref<1x64xi32, #tpu.memory_space<vmem>> -> memref<64xi32, #tpu.memory_space<vmem>>
      %dma_wait3A_823 = arith.constant 0 : i32
      %dma_wait3A_824 = arith.constant 0 : i32
      %dma_wait3A_825 = tpu.memref_slice %arg6[%dma_wait3A_823, %dma_wait3A_824] : memref<3328x128xf32, #tpu.memory_space<vmem_shared>> -> memref<3328x128xf32, #tpu.memory_space<vmem_shared>>
      tpu.wait_indirect_dma semaphore(%arg11 : memref<!tpu.dma_semaphore, #tpu.memory_space<semaphore_mem>>) src(%dma_wait3A_825 : memref<3328x128xf32, #tpu.memory_space<vmem_shared>>) dst(%dma_wait3A_819 : memref<64x128xf32, #tpu.memory_space<vmem>>)
      %mul3A_826 = arith.constant 64 : i32
      %mul3A_827 = arith.muli %add3A_781, %mul3A_826 : i32
      %add3A_828 = arith.addi %mul3A_73, %mul3A_827 : i32
      %dma_start3A_829 = arith.constant 0 : i32
      %dma_start3A_830 = arith.constant 0 : i32
      %dma_start3A_831 = arith.constant 0 : i32
      %dma_start3A_832 = tpu.memref_slice %arg10[%dma_start3A_829, %dma_start3A_830, %dma_start3A_831] : memref<8x64x128xf32, #tpu.memory_space<vmem>> -> memref<1x64x128xf32, #tpu.memory_space<vmem>>
      %dma_start3A_833 = tpu.memref_squeeze %dma_start3A_832 : memref<1x64x128xf32, #tpu.memory_space<vmem>> -> memref<64x128xf32, #tpu.memory_space<vmem>>
      %dma_start3A_834 = arith.constant 0 : i32
      %dma_start3A_835 = tpu.memref_slice %arg5[%add3A_828, %dma_start3A_834] : memref<524288x128xf32, #tpu.memory_space<hbm>> -> memref<64x128xf32, #tpu.memory_space<hbm>>
      %dma_start3A_836 = arith.constant 0 : i32
      %dma_start3A_837 = tpu.memref_slice %arg5[%add3A_828, %dma_start3A_836] : memref<524288x128xf32, #tpu.memory_space<hbm>> -> memref<64x128xf32, #tpu.memory_space<hbm>>
      %dma_start3A_838 = arith.constant 0 : i32
      %dma_start3A_839 = arith.constant 0 : i32
      %dma_start3A_840 = tpu.memref_slice %arg10[%dma_start3A_829, %dma_start3A_838, %dma_start3A_839] : memref<8x64x128xf32, #tpu.memory_space<vmem>> -> memref<1x64x128xf32, #tpu.memory_space<vmem>>
      %dma_start3A_841 = tpu.memref_squeeze %dma_start3A_840 : memref<1x64x128xf32, #tpu.memory_space<vmem>> -> memref<64x128xf32, #tpu.memory_space<vmem>>
      tpu.enqueue_dma source(%dma_start3A_841 : memref<64x128xf32, #tpu.memory_space<vmem>>) target(%dma_start3A_837 : memref<64x128xf32, #tpu.memory_space<hbm>>) target_semaphore(%arg12 : memref<!tpu.dma_semaphore, #tpu.memory_space<semaphore_mem>>)
      %add3A_842 = arith.constant 5 : i32
      %add3A_843 = arith.addi %add3A_515, %add3A_842 : i32
      %sub3A_844 = arith.constant 4 : i32
      %sub3A_845 = arith.subi %add3A_843, %sub3A_844 : i32
      %mul3A_846 = arith.constant 64 : i32
      %mul3A_847 = arith.muli %sub3A_845, %mul3A_846 : i32
      %add3A_848 = arith.addi %mul3A_73, %mul3A_847 : i32
      %dma_wait3A_849 = arith.constant 5 : i32
      %dma_wait3A_850 = arith.constant 0 : i32
      %dma_wait3A_851 = arith.constant 0 : i32
      %dma_wait3A_852 = tpu.memref_slice %arg10[%dma_wait3A_849, %dma_wait3A_850, %dma_wait3A_851] : memref<8x64x128xf32, #tpu.memory_space<vmem>> -> memref<1x64x128xf32, #tpu.memory_space<vmem>>
      %dma_wait3A_853 = tpu.memref_squeeze %dma_wait3A_852 : memref<1x64x128xf32, #tpu.memory_space<vmem>> -> memref<64x128xf32, #tpu.memory_space<vmem>>
      %dma_wait3A_854 = arith.constant 0 : i32
      %dma_wait3A_855 = tpu.memref_slice %arg5[%add3A_848, %dma_wait3A_854] : memref<524288x128xf32, #tpu.memory_space<hbm>> -> memref<64x128xf32, #tpu.memory_space<hbm>>
      %dma_wait3A_856 = arith.constant 0 : i32
      %dma_wait3A_857 = tpu.memref_slice %arg5[%add3A_848, %dma_wait3A_856] : memref<524288x128xf32, #tpu.memory_space<hbm>> -> memref<64x128xf32, #tpu.memory_space<hbm>>
      %dma_wait3A_858 = arith.constant 0 : i32
      %dma_wait3A_859 = arith.constant 0 : i32
      %dma_wait3A_860 = tpu.memref_slice %arg10[%dma_wait3A_849, %dma_wait3A_858, %dma_wait3A_859] : memref<8x64x128xf32, #tpu.memory_space<vmem>> -> memref<1x64x128xf32, #tpu.memory_space<vmem>>
      %dma_wait3A_861 = tpu.memref_squeeze %dma_wait3A_860 : memref<1x64x128xf32, #tpu.memory_space<vmem>> -> memref<64x128xf32, #tpu.memory_space<vmem>>
      tpu.wait_dma2 semaphore(%arg12 : memref<!tpu.dma_semaphore, #tpu.memory_space<semaphore_mem>>) src(%dma_wait3A_861 : memref<64x128xf32, #tpu.memory_space<vmem>>) dst(%dma_wait3A_857 : memref<64x128xf32, #tpu.memory_space<hbm>>)
      %add3A_862 = arith.constant 4 : i32
      %add3A_863 = arith.addi %select_n3A, %add3A_862 : i32
      %dma_start3A_864 = arith.constant 5 : i32
      %dma_start3A_865 = arith.constant 0 : i32
      %dma_start3A_866 = arith.constant 0 : i32
      %dma_start3A_867 = tpu.memref_slice %arg10[%dma_start3A_864, %dma_start3A_865, %dma_start3A_866] : memref<8x64x128xf32, #tpu.memory_space<vmem>> -> memref<1x64x128xf32, #tpu.memory_space<vmem>>
      %dma_start3A_868 = tpu.memref_squeeze %dma_start3A_867 : memref<1x64x128xf32, #tpu.memory_space<vmem>> -> memref<64x128xf32, #tpu.memory_space<vmem>>
      %dma_start3A_869 = arith.constant 64 : i32
      %dma_start3A_870 = tpu.memref_slice %arg9[%add3A_863, %dma_start3A_869] : memref<128x128xi32, #tpu.memory_space<vmem>> -> memref<1x64xi32, #tpu.memory_space<vmem>>
      %dma_start3A_871 = tpu.memref_squeeze %dma_start3A_870 : memref<1x64xi32, #tpu.memory_space<vmem>> -> memref<64xi32, #tpu.memory_space<vmem>>
      %dma_start3A_872 = arith.constant 0 : i32
      %dma_start3A_873 = arith.constant 0 : i32
      %dma_start3A_874 = tpu.memref_slice %arg6[%dma_start3A_872, %dma_start3A_873] : memref<3328x128xf32, #tpu.memory_space<vmem_shared>> -> memref<3328x128xf32, #tpu.memory_space<vmem_shared>>
      tpu.enqueue_indirect_dma source(%dma_start3A_874 : memref<3328x128xf32, #tpu.memory_space<vmem_shared>>) target(%dma_start3A_868 : memref<64x128xf32, #tpu.memory_space<vmem>>) offsets(%dma_start3A_871 : memref<64xi32, #tpu.memory_space<vmem>>) semaphore(%arg11 : memref<!tpu.dma_semaphore, #tpu.memory_space<semaphore_mem>>)
      %add3A_875 = arith.constant 2 : i32
      %add3A_876 = arith.addi %select_n3A, %add3A_875 : i32
      %dma_wait3A_877 = arith.constant 1 : i32
      %dma_wait3A_878 = arith.constant 0 : i32
      %dma_wait3A_879 = arith.constant 0 : i32
      %dma_wait3A_880 = tpu.memref_slice %arg10[%dma_wait3A_877, %dma_wait3A_878, %dma_wait3A_879] : memref<8x64x128xf32, #tpu.memory_space<vmem>> -> memref<1x64x128xf32, #tpu.memory_space<vmem>>
      %dma_wait3A_881 = tpu.memref_squeeze %dma_wait3A_880 : memref<1x64x128xf32, #tpu.memory_space<vmem>> -> memref<64x128xf32, #tpu.memory_space<vmem>>
      %dma_wait3A_882 = arith.constant 64 : i32
      %dma_wait3A_883 = tpu.memref_slice %arg9[%add3A_876, %dma_wait3A_882] : memref<128x128xi32, #tpu.memory_space<vmem>> -> memref<1x64xi32, #tpu.memory_space<vmem>>
      %dma_wait3A_884 = tpu.memref_squeeze %dma_wait3A_883 : memref<1x64xi32, #tpu.memory_space<vmem>> -> memref<64xi32, #tpu.memory_space<vmem>>
      %dma_wait3A_885 = arith.constant 0 : i32
      %dma_wait3A_886 = arith.constant 0 : i32
      %dma_wait3A_887 = tpu.memref_slice %arg6[%dma_wait3A_885, %dma_wait3A_886] : memref<3328x128xf32, #tpu.memory_space<vmem_shared>> -> memref<3328x128xf32, #tpu.memory_space<vmem_shared>>
      tpu.wait_indirect_dma semaphore(%arg11 : memref<!tpu.dma_semaphore, #tpu.memory_space<semaphore_mem>>) src(%dma_wait3A_887 : memref<3328x128xf32, #tpu.memory_space<vmem_shared>>) dst(%dma_wait3A_881 : memref<64x128xf32, #tpu.memory_space<vmem>>)
      %mul3A_888 = arith.constant 64 : i32
      %mul3A_889 = arith.muli %add3A_843, %mul3A_888 : i32
      %add3A_890 = arith.addi %mul3A_73, %mul3A_889 : i32
      %dma_start3A_891 = arith.constant 1 : i32
      %dma_start3A_892 = arith.constant 0 : i32
      %dma_start3A_893 = arith.constant 0 : i32
      %dma_start3A_894 = tpu.memref_slice %arg10[%dma_start3A_891, %dma_start3A_892, %dma_start3A_893] : memref<8x64x128xf32, #tpu.memory_space<vmem>> -> memref<1x64x128xf32, #tpu.memory_space<vmem>>
      %dma_start3A_895 = tpu.memref_squeeze %dma_start3A_894 : memref<1x64x128xf32, #tpu.memory_space<vmem>> -> memref<64x128xf32, #tpu.memory_space<vmem>>
      %dma_start3A_896 = arith.constant 0 : i32
      %dma_start3A_897 = tpu.memref_slice %arg5[%add3A_890, %dma_start3A_896] : memref<524288x128xf32, #tpu.memory_space<hbm>> -> memref<64x128xf32, #tpu.memory_space<hbm>>
      %dma_start3A_898 = arith.constant 0 : i32
      %dma_start3A_899 = tpu.memref_slice %arg5[%add3A_890, %dma_start3A_898] : memref<524288x128xf32, #tpu.memory_space<hbm>> -> memref<64x128xf32, #tpu.memory_space<hbm>>
      %dma_start3A_900 = arith.constant 0 : i32
      %dma_start3A_901 = arith.constant 0 : i32
      %dma_start3A_902 = tpu.memref_slice %arg10[%dma_start3A_891, %dma_start3A_900, %dma_start3A_901] : memref<8x64x128xf32, #tpu.memory_space<vmem>> -> memref<1x64x128xf32, #tpu.memory_space<vmem>>
      %dma_start3A_903 = tpu.memref_squeeze %dma_start3A_902 : memref<1x64x128xf32, #tpu.memory_space<vmem>> -> memref<64x128xf32, #tpu.memory_space<vmem>>
      tpu.enqueue_dma source(%dma_start3A_903 : memref<64x128xf32, #tpu.memory_space<vmem>>) target(%dma_start3A_899 : memref<64x128xf32, #tpu.memory_space<hbm>>) target_semaphore(%arg12 : memref<!tpu.dma_semaphore, #tpu.memory_space<semaphore_mem>>)
      %add3A_904 = arith.constant 6 : i32
      %add3A_905 = arith.addi %add3A_515, %add3A_904 : i32
      %sub3A_906 = arith.constant 4 : i32
      %sub3A_907 = arith.subi %add3A_905, %sub3A_906 : i32
      %mul3A_908 = arith.constant 64 : i32
      %mul3A_909 = arith.muli %sub3A_907, %mul3A_908 : i32
      %add3A_910 = arith.addi %mul3A_73, %mul3A_909 : i32
      %dma_wait3A_911 = arith.constant 6 : i32
      %dma_wait3A_912 = arith.constant 0 : i32
      %dma_wait3A_913 = arith.constant 0 : i32
      %dma_wait3A_914 = tpu.memref_slice %arg10[%dma_wait3A_911, %dma_wait3A_912, %dma_wait3A_913] : memref<8x64x128xf32, #tpu.memory_space<vmem>> -> memref<1x64x128xf32, #tpu.memory_space<vmem>>
      %dma_wait3A_915 = tpu.memref_squeeze %dma_wait3A_914 : memref<1x64x128xf32, #tpu.memory_space<vmem>> -> memref<64x128xf32, #tpu.memory_space<vmem>>
      %dma_wait3A_916 = arith.constant 0 : i32
      %dma_wait3A_917 = tpu.memref_slice %arg5[%add3A_910, %dma_wait3A_916] : memref<524288x128xf32, #tpu.memory_space<hbm>> -> memref<64x128xf32, #tpu.memory_space<hbm>>
      %dma_wait3A_918 = arith.constant 0 : i32
      %dma_wait3A_919 = tpu.memref_slice %arg5[%add3A_910, %dma_wait3A_918] : memref<524288x128xf32, #tpu.memory_space<hbm>> -> memref<64x128xf32, #tpu.memory_space<hbm>>
      %dma_wait3A_920 = arith.constant 0 : i32
      %dma_wait3A_921 = arith.constant 0 : i32
      %dma_wait3A_922 = tpu.memref_slice %arg10[%dma_wait3A_911, %dma_wait3A_920, %dma_wait3A_921] : memref<8x64x128xf32, #tpu.memory_space<vmem>> -> memref<1x64x128xf32, #tpu.memory_space<vmem>>
      %dma_wait3A_923 = tpu.memref_squeeze %dma_wait3A_922 : memref<1x64x128xf32, #tpu.memory_space<vmem>> -> memref<64x128xf32, #tpu.memory_space<vmem>>
      tpu.wait_dma2 semaphore(%arg12 : memref<!tpu.dma_semaphore, #tpu.memory_space<semaphore_mem>>) src(%dma_wait3A_923 : memref<64x128xf32, #tpu.memory_space<vmem>>) dst(%dma_wait3A_919 : memref<64x128xf32, #tpu.memory_space<hbm>>)
      %add3A_924 = arith.constant 5 : i32
      %add3A_925 = arith.addi %select_n3A, %add3A_924 : i32
      %dma_start3A_926 = arith.constant 6 : i32
      %dma_start3A_927 = arith.constant 0 : i32
      %dma_start3A_928 = arith.constant 0 : i32
      %dma_start3A_929 = tpu.memref_slice %arg10[%dma_start3A_926, %dma_start3A_927, %dma_start3A_928] : memref<8x64x128xf32, #tpu.memory_space<vmem>> -> memref<1x64x128xf32, #tpu.memory_space<vmem>>
      %dma_start3A_930 = tpu.memref_squeeze %dma_start3A_929 : memref<1x64x128xf32, #tpu.memory_space<vmem>> -> memref<64x128xf32, #tpu.memory_space<vmem>>
      %dma_start3A_931 = arith.constant 0 : i32
      %dma_start3A_932 = tpu.memref_slice %arg9[%add3A_925, %dma_start3A_931] : memref<128x128xi32, #tpu.memory_space<vmem>> -> memref<1x64xi32, #tpu.memory_space<vmem>>
      %dma_start3A_933 = tpu.memref_squeeze %dma_start3A_932 : memref<1x64xi32, #tpu.memory_space<vmem>> -> memref<64xi32, #tpu.memory_space<vmem>>
      %dma_start3A_934 = arith.constant 0 : i32
      %dma_start3A_935 = arith.constant 0 : i32
      %dma_start3A_936 = tpu.memref_slice %arg6[%dma_start3A_934, %dma_start3A_935] : memref<3328x128xf32, #tpu.memory_space<vmem_shared>> -> memref<3328x128xf32, #tpu.memory_space<vmem_shared>>
      tpu.enqueue_indirect_dma source(%dma_start3A_936 : memref<3328x128xf32, #tpu.memory_space<vmem_shared>>) target(%dma_start3A_930 : memref<64x128xf32, #tpu.memory_space<vmem>>) offsets(%dma_start3A_933 : memref<64xi32, #tpu.memory_space<vmem>>) semaphore(%arg11 : memref<!tpu.dma_semaphore, #tpu.memory_space<semaphore_mem>>)
      %add3A_937 = arith.constant 3 : i32
      %add3A_938 = arith.addi %select_n3A, %add3A_937 : i32
      %dma_wait3A_939 = arith.constant 2 : i32
      %dma_wait3A_940 = arith.constant 0 : i32
      %dma_wait3A_941 = arith.constant 0 : i32
      %dma_wait3A_942 = tpu.memref_slice %arg10[%dma_wait3A_939, %dma_wait3A_940, %dma_wait3A_941] : memref<8x64x128xf32, #tpu.memory_space<vmem>> -> memref<1x64x128xf32, #tpu.memory_space<vmem>>
      %dma_wait3A_943 = tpu.memref_squeeze %dma_wait3A_942 : memref<1x64x128xf32, #tpu.memory_space<vmem>> -> memref<64x128xf32, #tpu.memory_space<vmem>>
      %dma_wait3A_944 = arith.constant 0 : i32
      %dma_wait3A_945 = tpu.memref_slice %arg9[%add3A_938, %dma_wait3A_944] : memref<128x128xi32, #tpu.memory_space<vmem>> -> memref<1x64xi32, #tpu.memory_space<vmem>>
      %dma_wait3A_946 = tpu.memref_squeeze %dma_wait3A_945 : memref<1x64xi32, #tpu.memory_space<vmem>> -> memref<64xi32, #tpu.memory_space<vmem>>
      %dma_wait3A_947 = arith.constant 0 : i32
      %dma_wait3A_948 = arith.constant 0 : i32
      %dma_wait3A_949 = tpu.memref_slice %arg6[%dma_wait3A_947, %dma_wait3A_948] : memref<3328x128xf32, #tpu.memory_space<vmem_shared>> -> memref<3328x128xf32, #tpu.memory_space<vmem_shared>>
      tpu.wait_indirect_dma semaphore(%arg11 : memref<!tpu.dma_semaphore, #tpu.memory_space<semaphore_mem>>) src(%dma_wait3A_949 : memref<3328x128xf32, #tpu.memory_space<vmem_shared>>) dst(%dma_wait3A_943 : memref<64x128xf32, #tpu.memory_space<vmem>>)
      %mul3A_950 = arith.constant 64 : i32
      %mul3A_951 = arith.muli %add3A_905, %mul3A_950 : i32
      %add3A_952 = arith.addi %mul3A_73, %mul3A_951 : i32
      %dma_start3A_953 = arith.constant 2 : i32
      %dma_start3A_954 = arith.constant 0 : i32
      %dma_start3A_955 = arith.constant 0 : i32
      %dma_start3A_956 = tpu.memref_slice %arg10[%dma_start3A_953, %dma_start3A_954, %dma_start3A_955] : memref<8x64x128xf32, #tpu.memory_space<vmem>> -> memref<1x64x128xf32, #tpu.memory_space<vmem>>
      %dma_start3A_957 = tpu.memref_squeeze %dma_start3A_956 : memref<1x64x128xf32, #tpu.memory_space<vmem>> -> memref<64x128xf32, #tpu.memory_space<vmem>>
      %dma_start3A_958 = arith.constant 0 : i32
      %dma_start3A_959 = tpu.memref_slice %arg5[%add3A_952, %dma_start3A_958] : memref<524288x128xf32, #tpu.memory_space<hbm>> -> memref<64x128xf32, #tpu.memory_space<hbm>>
      %dma_start3A_960 = arith.constant 0 : i32
      %dma_start3A_961 = tpu.memref_slice %arg5[%add3A_952, %dma_start3A_960] : memref<524288x128xf32, #tpu.memory_space<hbm>> -> memref<64x128xf32, #tpu.memory_space<hbm>>
      %dma_start3A_962 = arith.constant 0 : i32
      %dma_start3A_963 = arith.constant 0 : i32
      %dma_start3A_964 = tpu.memref_slice %arg10[%dma_start3A_953, %dma_start3A_962, %dma_start3A_963] : memref<8x64x128xf32, #tpu.memory_space<vmem>> -> memref<1x64x128xf32, #tpu.memory_space<vmem>>
      %dma_start3A_965 = tpu.memref_squeeze %dma_start3A_964 : memref<1x64x128xf32, #tpu.memory_space<vmem>> -> memref<64x128xf32, #tpu.memory_space<vmem>>
      tpu.enqueue_dma source(%dma_start3A_965 : memref<64x128xf32, #tpu.memory_space<vmem>>) target(%dma_start3A_961 : memref<64x128xf32, #tpu.memory_space<hbm>>) target_semaphore(%arg12 : memref<!tpu.dma_semaphore, #tpu.memory_space<semaphore_mem>>)
      %add3A_966 = arith.constant 7 : i32
      %add3A_967 = arith.addi %add3A_515, %add3A_966 : i32
      %sub3A_968 = arith.constant 4 : i32
      %sub3A_969 = arith.subi %add3A_967, %sub3A_968 : i32
      %mul3A_970 = arith.constant 64 : i32
      %mul3A_971 = arith.muli %sub3A_969, %mul3A_970 : i32
      %add3A_972 = arith.addi %mul3A_73, %mul3A_971 : i32
      %dma_wait3A_973 = arith.constant 7 : i32
      %dma_wait3A_974 = arith.constant 0 : i32
      %dma_wait3A_975 = arith.constant 0 : i32
      %dma_wait3A_976 = tpu.memref_slice %arg10[%dma_wait3A_973, %dma_wait3A_974, %dma_wait3A_975] : memref<8x64x128xf32, #tpu.memory_space<vmem>> -> memref<1x64x128xf32, #tpu.memory_space<vmem>>
      %dma_wait3A_977 = tpu.memref_squeeze %dma_wait3A_976 : memref<1x64x128xf32, #tpu.memory_space<vmem>> -> memref<64x128xf32, #tpu.memory_space<vmem>>
      %dma_wait3A_978 = arith.constant 0 : i32
      %dma_wait3A_979 = tpu.memref_slice %arg5[%add3A_972, %dma_wait3A_978] : memref<524288x128xf32, #tpu.memory_space<hbm>> -> memref<64x128xf32, #tpu.memory_space<hbm>>
      %dma_wait3A_980 = arith.constant 0 : i32
      %dma_wait3A_981 = tpu.memref_slice %arg5[%add3A_972, %dma_wait3A_980] : memref<524288x128xf32, #tpu.memory_space<hbm>> -> memref<64x128xf32, #tpu.memory_space<hbm>>
      %dma_wait3A_982 = arith.constant 0 : i32
      %dma_wait3A_983 = arith.constant 0 : i32
      %dma_wait3A_984 = tpu.memref_slice %arg10[%dma_wait3A_973, %dma_wait3A_982, %dma_wait3A_983] : memref<8x64x128xf32, #tpu.memory_space<vmem>> -> memref<1x64x128xf32, #tpu.memory_space<vmem>>
      %dma_wait3A_985 = tpu.memref_squeeze %dma_wait3A_984 : memref<1x64x128xf32, #tpu.memory_space<vmem>> -> memref<64x128xf32, #tpu.memory_space<vmem>>
      tpu.wait_dma2 semaphore(%arg12 : memref<!tpu.dma_semaphore, #tpu.memory_space<semaphore_mem>>) src(%dma_wait3A_985 : memref<64x128xf32, #tpu.memory_space<vmem>>) dst(%dma_wait3A_981 : memref<64x128xf32, #tpu.memory_space<hbm>>)
      %add3A_986 = arith.constant 5 : i32
      %add3A_987 = arith.addi %select_n3A, %add3A_986 : i32
      %dma_start3A_988 = arith.constant 7 : i32
      %dma_start3A_989 = arith.constant 0 : i32
      %dma_start3A_990 = arith.constant 0 : i32
      %dma_start3A_991 = tpu.memref_slice %arg10[%dma_start3A_988, %dma_start3A_989, %dma_start3A_990] : memref<8x64x128xf32, #tpu.memory_space<vmem>> -> memref<1x64x128xf32, #tpu.memory_space<vmem>>
      %dma_start3A_992 = tpu.memref_squeeze %dma_start3A_991 : memref<1x64x128xf32, #tpu.memory_space<vmem>> -> memref<64x128xf32, #tpu.memory_space<vmem>>
      %dma_start3A_993 = arith.constant 64 : i32
      %dma_start3A_994 = tpu.memref_slice %arg9[%add3A_987, %dma_start3A_993] : memref<128x128xi32, #tpu.memory_space<vmem>> -> memref<1x64xi32, #tpu.memory_space<vmem>>
      %dma_start3A_995 = tpu.memref_squeeze %dma_start3A_994 : memref<1x64xi32, #tpu.memory_space<vmem>> -> memref<64xi32, #tpu.memory_space<vmem>>
      %dma_start3A_996 = arith.constant 0 : i32
      %dma_start3A_997 = arith.constant 0 : i32
      %dma_start3A_998 = tpu.memref_slice %arg6[%dma_start3A_996, %dma_start3A_997] : memref<3328x128xf32, #tpu.memory_space<vmem_shared>> -> memref<3328x128xf32, #tpu.memory_space<vmem_shared>>
      tpu.enqueue_indirect_dma source(%dma_start3A_998 : memref<3328x128xf32, #tpu.memory_space<vmem_shared>>) target(%dma_start3A_992 : memref<64x128xf32, #tpu.memory_space<vmem>>) offsets(%dma_start3A_995 : memref<64xi32, #tpu.memory_space<vmem>>) semaphore(%arg11 : memref<!tpu.dma_semaphore, #tpu.memory_space<semaphore_mem>>)
      %add3A_999 = arith.constant 3 : i32
      %add3A_1000 = arith.addi %select_n3A, %add3A_999 : i32
      %dma_wait3A_1001 = arith.constant 3 : i32
      %dma_wait3A_1002 = arith.constant 0 : i32
      %dma_wait3A_1003 = arith.constant 0 : i32
      %dma_wait3A_1004 = tpu.memref_slice %arg10[%dma_wait3A_1001, %dma_wait3A_1002, %dma_wait3A_1003] : memref<8x64x128xf32, #tpu.memory_space<vmem>> -> memref<1x64x128xf32, #tpu.memory_space<vmem>>
      %dma_wait3A_1005 = tpu.memref_squeeze %dma_wait3A_1004 : memref<1x64x128xf32, #tpu.memory_space<vmem>> -> memref<64x128xf32, #tpu.memory_space<vmem>>
      %dma_wait3A_1006 = arith.constant 64 : i32
      %dma_wait3A_1007 = tpu.memref_slice %arg9[%add3A_1000, %dma_wait3A_1006] : memref<128x128xi32, #tpu.memory_space<vmem>> -> memref<1x64xi32, #tpu.memory_space<vmem>>
      %dma_wait3A_1008 = tpu.memref_squeeze %dma_wait3A_1007 : memref<1x64xi32, #tpu.memory_space<vmem>> -> memref<64xi32, #tpu.memory_space<vmem>>
      %dma_wait3A_1009 = arith.constant 0 : i32
      %dma_wait3A_1010 = arith.constant 0 : i32
      %dma_wait3A_1011 = tpu.memref_slice %arg6[%dma_wait3A_1009, %dma_wait3A_1010] : memref<3328x128xf32, #tpu.memory_space<vmem_shared>> -> memref<3328x128xf32, #tpu.memory_space<vmem_shared>>
      tpu.wait_indirect_dma semaphore(%arg11 : memref<!tpu.dma_semaphore, #tpu.memory_space<semaphore_mem>>) src(%dma_wait3A_1011 : memref<3328x128xf32, #tpu.memory_space<vmem_shared>>) dst(%dma_wait3A_1005 : memref<64x128xf32, #tpu.memory_space<vmem>>)
      %mul3A_1012 = arith.constant 64 : i32
      %mul3A_1013 = arith.muli %add3A_967, %mul3A_1012 : i32
      %add3A_1014 = arith.addi %mul3A_73, %mul3A_1013 : i32
      %dma_start3A_1015 = arith.constant 3 : i32
      %dma_start3A_1016 = arith.constant 0 : i32
      %dma_start3A_1017 = arith.constant 0 : i32
      %dma_start3A_1018 = tpu.memref_slice %arg10[%dma_start3A_1015, %dma_start3A_1016, %dma_start3A_1017] : memref<8x64x128xf32, #tpu.memory_space<vmem>> -> memref<1x64x128xf32, #tpu.memory_space<vmem>>
      %dma_start3A_1019 = tpu.memref_squeeze %dma_start3A_1018 : memref<1x64x128xf32, #tpu.memory_space<vmem>> -> memref<64x128xf32, #tpu.memory_space<vmem>>
      %dma_start3A_1020 = arith.constant 0 : i32
      %dma_start3A_1021 = tpu.memref_slice %arg5[%add3A_1014, %dma_start3A_1020] : memref<524288x128xf32, #tpu.memory_space<hbm>> -> memref<64x128xf32, #tpu.memory_space<hbm>>
      %dma_start3A_1022 = arith.constant 0 : i32
      %dma_start3A_1023 = tpu.memref_slice %arg5[%add3A_1014, %dma_start3A_1022] : memref<524288x128xf32, #tpu.memory_space<hbm>> -> memref<64x128xf32, #tpu.memory_space<hbm>>
      %dma_start3A_1024 = arith.constant 0 : i32
      %dma_start3A_1025 = arith.constant 0 : i32
      %dma_start3A_1026 = tpu.memref_slice %arg10[%dma_start3A_1015, %dma_start3A_1024, %dma_start3A_1025] : memref<8x64x128xf32, #tpu.memory_space<vmem>> -> memref<1x64x128xf32, #tpu.memory_space<vmem>>
      %dma_start3A_1027 = tpu.memref_squeeze %dma_start3A_1026 : memref<1x64x128xf32, #tpu.memory_space<vmem>> -> memref<64x128xf32, #tpu.memory_space<vmem>>
      tpu.enqueue_dma source(%dma_start3A_1027 : memref<64x128xf32, #tpu.memory_space<vmem>>) target(%dma_start3A_1023 : memref<64x128xf32, #tpu.memory_space<hbm>>) target_semaphore(%arg12 : memref<!tpu.dma_semaphore, #tpu.memory_space<semaphore_mem>>)
    }
    %scan3A_282 = arith.constant 31 : i32
    %dma_wait3A_283 = arith.constant 126 : i32
    %dma_wait3A_284 = arith.constant 4 : i32
    %dma_wait3A_285 = arith.constant 0 : i32
    %dma_wait3A_286 = arith.constant 0 : i32
    %dma_wait3A_287 = tpu.memref_slice %arg10[%dma_wait3A_284, %dma_wait3A_285, %dma_wait3A_286] : memref<8x64x128xf32, #tpu.memory_space<vmem>> -> memref<1x64x128xf32, #tpu.memory_space<vmem>>
    %dma_wait3A_288 = tpu.memref_squeeze %dma_wait3A_287 : memref<1x64x128xf32, #tpu.memory_space<vmem>> -> memref<64x128xf32, #tpu.memory_space<vmem>>
    %dma_wait3A_289 = arith.constant 0 : i32
    %dma_wait3A_290 = tpu.memref_slice %arg9[%dma_wait3A_283, %dma_wait3A_289] : memref<128x128xi32, #tpu.memory_space<vmem>> -> memref<1x64xi32, #tpu.memory_space<vmem>>
    %dma_wait3A_291 = tpu.memref_squeeze %dma_wait3A_290 : memref<1x64xi32, #tpu.memory_space<vmem>> -> memref<64xi32, #tpu.memory_space<vmem>>
    %dma_wait3A_292 = arith.constant 0 : i32
    %dma_wait3A_293 = arith.constant 0 : i32
    %dma_wait3A_294 = tpu.memref_slice %arg6[%dma_wait3A_292, %dma_wait3A_293] : memref<3328x128xf32, #tpu.memory_space<vmem_shared>> -> memref<3328x128xf32, #tpu.memory_space<vmem_shared>>
    tpu.wait_indirect_dma semaphore(%arg11 : memref<!tpu.dma_semaphore, #tpu.memory_space<semaphore_mem>>) src(%dma_wait3A_294 : memref<3328x128xf32, #tpu.memory_space<vmem_shared>>) dst(%dma_wait3A_288 : memref<64x128xf32, #tpu.memory_space<vmem>>)
    %add3A_295 = arith.constant 16128 : i32
    %add3A_296 = arith.addi %mul3A_73, %add3A_295 : i32
    %dma_start3A_297 = arith.constant 4 : i32
    %dma_start3A_298 = arith.constant 0 : i32
    %dma_start3A_299 = arith.constant 0 : i32
    %dma_start3A_300 = tpu.memref_slice %arg10[%dma_start3A_297, %dma_start3A_298, %dma_start3A_299] : memref<8x64x128xf32, #tpu.memory_space<vmem>> -> memref<1x64x128xf32, #tpu.memory_space<vmem>>
    %dma_start3A_301 = tpu.memref_squeeze %dma_start3A_300 : memref<1x64x128xf32, #tpu.memory_space<vmem>> -> memref<64x128xf32, #tpu.memory_space<vmem>>
    %dma_start3A_302 = arith.constant 0 : i32
    %dma_start3A_303 = tpu.memref_slice %arg5[%add3A_296, %dma_start3A_302] : memref<524288x128xf32, #tpu.memory_space<hbm>> -> memref<64x128xf32, #tpu.memory_space<hbm>>
    %dma_start3A_304 = arith.constant 0 : i32
    %dma_start3A_305 = tpu.memref_slice %arg5[%add3A_296, %dma_start3A_304] : memref<524288x128xf32, #tpu.memory_space<hbm>> -> memref<64x128xf32, #tpu.memory_space<hbm>>
    %dma_start3A_306 = arith.constant 0 : i32
    %dma_start3A_307 = arith.constant 0 : i32
    %dma_start3A_308 = tpu.memref_slice %arg10[%dma_start3A_297, %dma_start3A_306, %dma_start3A_307] : memref<8x64x128xf32, #tpu.memory_space<vmem>> -> memref<1x64x128xf32, #tpu.memory_space<vmem>>
    %dma_start3A_309 = tpu.memref_squeeze %dma_start3A_308 : memref<1x64x128xf32, #tpu.memory_space<vmem>> -> memref<64x128xf32, #tpu.memory_space<vmem>>
    tpu.enqueue_dma source(%dma_start3A_309 : memref<64x128xf32, #tpu.memory_space<vmem>>) target(%dma_start3A_305 : memref<64x128xf32, #tpu.memory_space<hbm>>) target_semaphore(%arg12 : memref<!tpu.dma_semaphore, #tpu.memory_space<semaphore_mem>>)
    %add3A_310 = arith.constant 15872 : i32
    %add3A_311 = arith.addi %mul3A_73, %add3A_310 : i32
    %dma_wait3A_312 = arith.constant 0 : i32
    %dma_wait3A_313 = arith.constant 0 : i32
    %dma_wait3A_314 = arith.constant 0 : i32
    %dma_wait3A_315 = tpu.memref_slice %arg10[%dma_wait3A_312, %dma_wait3A_313, %dma_wait3A_314] : memref<8x64x128xf32, #tpu.memory_space<vmem>> -> memref<1x64x128xf32, #tpu.memory_space<vmem>>
    %dma_wait3A_316 = tpu.memref_squeeze %dma_wait3A_315 : memref<1x64x128xf32, #tpu.memory_space<vmem>> -> memref<64x128xf32, #tpu.memory_space<vmem>>
    %dma_wait3A_317 = arith.constant 0 : i32
    %dma_wait3A_318 = tpu.memref_slice %arg5[%add3A_311, %dma_wait3A_317] : memref<524288x128xf32, #tpu.memory_space<hbm>> -> memref<64x128xf32, #tpu.memory_space<hbm>>
    %dma_wait3A_319 = arith.constant 0 : i32
    %dma_wait3A_320 = tpu.memref_slice %arg5[%add3A_311, %dma_wait3A_319] : memref<524288x128xf32, #tpu.memory_space<hbm>> -> memref<64x128xf32, #tpu.memory_space<hbm>>
    %dma_wait3A_321 = arith.constant 0 : i32
    %dma_wait3A_322 = arith.constant 0 : i32
    %dma_wait3A_323 = tpu.memref_slice %arg10[%dma_wait3A_312, %dma_wait3A_321, %dma_wait3A_322] : memref<8x64x128xf32, #tpu.memory_space<vmem>> -> memref<1x64x128xf32, #tpu.memory_space<vmem>>
    %dma_wait3A_324 = tpu.memref_squeeze %dma_wait3A_323 : memref<1x64x128xf32, #tpu.memory_space<vmem>> -> memref<64x128xf32, #tpu.memory_space<vmem>>
    tpu.wait_dma2 semaphore(%arg12 : memref<!tpu.dma_semaphore, #tpu.memory_space<semaphore_mem>>) src(%dma_wait3A_324 : memref<64x128xf32, #tpu.memory_space<vmem>>) dst(%dma_wait3A_320 : memref<64x128xf32, #tpu.memory_space<hbm>>)
    %dma_wait3A_325 = arith.constant 126 : i32
    %dma_wait3A_326 = arith.constant 5 : i32
    %dma_wait3A_327 = arith.constant 0 : i32
    %dma_wait3A_328 = arith.constant 0 : i32
    %dma_wait3A_329 = tpu.memref_slice %arg10[%dma_wait3A_326, %dma_wait3A_327, %dma_wait3A_328] : memref<8x64x128xf32, #tpu.memory_space<vmem>> -> memref<1x64x128xf32, #tpu.memory_space<vmem>>
    %dma_wait3A_330 = tpu.memref_squeeze %dma_wait3A_329 : memref<1x64x128xf32, #tpu.memory_space<vmem>> -> memref<64x128xf32, #tpu.memory_space<vmem>>
    %dma_wait3A_331 = arith.constant 64 : i32
    %dma_wait3A_332 = tpu.memref_slice %arg9[%dma_wait3A_325, %dma_wait3A_331] : memref<128x128xi32, #tpu.memory_space<vmem>> -> memref<1x64xi32, #tpu.memory_space<vmem>>
    %dma_wait3A_333 = tpu.memref_squeeze %dma_wait3A_332 : memref<1x64xi32, #tpu.memory_space<vmem>> -> memref<64xi32, #tpu.memory_space<vmem>>
    %dma_wait3A_334 = arith.constant 0 : i32
    %dma_wait3A_335 = arith.constant 0 : i32
    %dma_wait3A_336 = tpu.memref_slice %arg6[%dma_wait3A_334, %dma_wait3A_335] : memref<3328x128xf32, #tpu.memory_space<vmem_shared>> -> memref<3328x128xf32, #tpu.memory_space<vmem_shared>>
    tpu.wait_indirect_dma semaphore(%arg11 : memref<!tpu.dma_semaphore, #tpu.memory_space<semaphore_mem>>) src(%dma_wait3A_336 : memref<3328x128xf32, #tpu.memory_space<vmem_shared>>) dst(%dma_wait3A_330 : memref<64x128xf32, #tpu.memory_space<vmem>>)
    %add3A_337 = arith.constant 16192 : i32
    %add3A_338 = arith.addi %mul3A_73, %add3A_337 : i32
    %dma_start3A_339 = arith.constant 5 : i32
    %dma_start3A_340 = arith.constant 0 : i32
    %dma_start3A_341 = arith.constant 0 : i32
    %dma_start3A_342 = tpu.memref_slice %arg10[%dma_start3A_339, %dma_start3A_340, %dma_start3A_341] : memref<8x64x128xf32, #tpu.memory_space<vmem>> -> memref<1x64x128xf32, #tpu.memory_space<vmem>>
    %dma_start3A_343 = tpu.memref_squeeze %dma_start3A_342 : memref<1x64x128xf32, #tpu.memory_space<vmem>> -> memref<64x128xf32, #tpu.memory_space<vmem>>
    %dma_start3A_344 = arith.constant 0 : i32
    %dma_start3A_345 = tpu.memref_slice %arg5[%add3A_338, %dma_start3A_344] : memref<524288x128xf32, #tpu.memory_space<hbm>> -> memref<64x128xf32, #tpu.memory_space<hbm>>
    %dma_start3A_346 = arith.constant 0 : i32
    %dma_start3A_347 = tpu.memref_slice %arg5[%add3A_338, %dma_start3A_346] : memref<524288x128xf32, #tpu.memory_space<hbm>> -> memref<64x128xf32, #tpu.memory_space<hbm>>
    %dma_start3A_348 = arith.constant 0 : i32
    %dma_start3A_349 = arith.constant 0 : i32
    %dma_start3A_350 = tpu.memref_slice %arg10[%dma_start3A_339, %dma_start3A_348, %dma_start3A_349] : memref<8x64x128xf32, #tpu.memory_space<vmem>> -> memref<1x64x128xf32, #tpu.memory_space<vmem>>
    %dma_start3A_351 = tpu.memref_squeeze %dma_start3A_350 : memref<1x64x128xf32, #tpu.memory_space<vmem>> -> memref<64x128xf32, #tpu.memory_space<vmem>>
    tpu.enqueue_dma source(%dma_start3A_351 : memref<64x128xf32, #tpu.memory_space<vmem>>) target(%dma_start3A_347 : memref<64x128xf32, #tpu.memory_space<hbm>>) target_semaphore(%arg12 : memref<!tpu.dma_semaphore, #tpu.memory_space<semaphore_mem>>)
    %add3A_352 = arith.constant 15936 : i32
    %add3A_353 = arith.addi %mul3A_73, %add3A_352 : i32
    %dma_wait3A_354 = arith.constant 1 : i32
    %dma_wait3A_355 = arith.constant 0 : i32
    %dma_wait3A_356 = arith.constant 0 : i32
    %dma_wait3A_357 = tpu.memref_slice %arg10[%dma_wait3A_354, %dma_wait3A_355, %dma_wait3A_356] : memref<8x64x128xf32, #tpu.memory_space<vmem>> -> memref<1x64x128xf32, #tpu.memory_space<vmem>>
    %dma_wait3A_358 = tpu.memref_squeeze %dma_wait3A_357 : memref<1x64x128xf32, #tpu.memory_space<vmem>> -> memref<64x128xf32, #tpu.memory_space<vmem>>
    %dma_wait3A_359 = arith.constant 0 : i32
    %dma_wait3A_360 = tpu.memref_slice %arg5[%add3A_353, %dma_wait3A_359] : memref<524288x128xf32, #tpu.memory_space<hbm>> -> memref<64x128xf32, #tpu.memory_space<hbm>>
    %dma_wait3A_361 = arith.constant 0 : i32
    %dma_wait3A_362 = tpu.memref_slice %arg5[%add3A_353, %dma_wait3A_361] : memref<524288x128xf32, #tpu.memory_space<hbm>> -> memref<64x128xf32, #tpu.memory_space<hbm>>
    %dma_wait3A_363 = arith.constant 0 : i32
    %dma_wait3A_364 = arith.constant 0 : i32
    %dma_wait3A_365 = tpu.memref_slice %arg10[%dma_wait3A_354, %dma_wait3A_363, %dma_wait3A_364] : memref<8x64x128xf32, #tpu.memory_space<vmem>> -> memref<1x64x128xf32, #tpu.memory_space<vmem>>
    %dma_wait3A_366 = tpu.memref_squeeze %dma_wait3A_365 : memref<1x64x128xf32, #tpu.memory_space<vmem>> -> memref<64x128xf32, #tpu.memory_space<vmem>>
    tpu.wait_dma2 semaphore(%arg12 : memref<!tpu.dma_semaphore, #tpu.memory_space<semaphore_mem>>) src(%dma_wait3A_366 : memref<64x128xf32, #tpu.memory_space<vmem>>) dst(%dma_wait3A_362 : memref<64x128xf32, #tpu.memory_space<hbm>>)
    %dma_wait3A_367 = arith.constant 127 : i32
    %dma_wait3A_368 = arith.constant 6 : i32
    %dma_wait3A_369 = arith.constant 0 : i32
    %dma_wait3A_370 = arith.constant 0 : i32
    %dma_wait3A_371 = tpu.memref_slice %arg10[%dma_wait3A_368, %dma_wait3A_369, %dma_wait3A_370] : memref<8x64x128xf32, #tpu.memory_space<vmem>> -> memref<1x64x128xf32, #tpu.memory_space<vmem>>
    %dma_wait3A_372 = tpu.memref_squeeze %dma_wait3A_371 : memref<1x64x128xf32, #tpu.memory_space<vmem>> -> memref<64x128xf32, #tpu.memory_space<vmem>>
    %dma_wait3A_373 = arith.constant 0 : i32
    %dma_wait3A_374 = tpu.memref_slice %arg9[%dma_wait3A_367, %dma_wait3A_373] : memref<128x128xi32, #tpu.memory_space<vmem>> -> memref<1x64xi32, #tpu.memory_space<vmem>>
    %dma_wait3A_375 = tpu.memref_squeeze %dma_wait3A_374 : memref<1x64xi32, #tpu.memory_space<vmem>> -> memref<64xi32, #tpu.memory_space<vmem>>
    %dma_wait3A_376 = arith.constant 0 : i32
    %dma_wait3A_377 = arith.constant 0 : i32
    %dma_wait3A_378 = tpu.memref_slice %arg6[%dma_wait3A_376, %dma_wait3A_377] : memref<3328x128xf32, #tpu.memory_space<vmem_shared>> -> memref<3328x128xf32, #tpu.memory_space<vmem_shared>>
    tpu.wait_indirect_dma semaphore(%arg11 : memref<!tpu.dma_semaphore, #tpu.memory_space<semaphore_mem>>) src(%dma_wait3A_378 : memref<3328x128xf32, #tpu.memory_space<vmem_shared>>) dst(%dma_wait3A_372 : memref<64x128xf32, #tpu.memory_space<vmem>>)
    %add3A_379 = arith.constant 16256 : i32
    %add3A_380 = arith.addi %mul3A_73, %add3A_379 : i32
    %dma_start3A_381 = arith.constant 6 : i32
    %dma_start3A_382 = arith.constant 0 : i32
    %dma_start3A_383 = arith.constant 0 : i32
    %dma_start3A_384 = tpu.memref_slice %arg10[%dma_start3A_381, %dma_start3A_382, %dma_start3A_383] : memref<8x64x128xf32, #tpu.memory_space<vmem>> -> memref<1x64x128xf32, #tpu.memory_space<vmem>>
    %dma_start3A_385 = tpu.memref_squeeze %dma_start3A_384 : memref<1x64x128xf32, #tpu.memory_space<vmem>> -> memref<64x128xf32, #tpu.memory_space<vmem>>
    %dma_start3A_386 = arith.constant 0 : i32
    %dma_start3A_387 = tpu.memref_slice %arg5[%add3A_380, %dma_start3A_386] : memref<524288x128xf32, #tpu.memory_space<hbm>> -> memref<64x128xf32, #tpu.memory_space<hbm>>
    %dma_start3A_388 = arith.constant 0 : i32
    %dma_start3A_389 = tpu.memref_slice %arg5[%add3A_380, %dma_start3A_388] : memref<524288x128xf32, #tpu.memory_space<hbm>> -> memref<64x128xf32, #tpu.memory_space<hbm>>
    %dma_start3A_390 = arith.constant 0 : i32
    %dma_start3A_391 = arith.constant 0 : i32
    %dma_start3A_392 = tpu.memref_slice %arg10[%dma_start3A_381, %dma_start3A_390, %dma_start3A_391] : memref<8x64x128xf32, #tpu.memory_space<vmem>> -> memref<1x64x128xf32, #tpu.memory_space<vmem>>
    %dma_start3A_393 = tpu.memref_squeeze %dma_start3A_392 : memref<1x64x128xf32, #tpu.memory_space<vmem>> -> memref<64x128xf32, #tpu.memory_space<vmem>>
    tpu.enqueue_dma source(%dma_start3A_393 : memref<64x128xf32, #tpu.memory_space<vmem>>) target(%dma_start3A_389 : memref<64x128xf32, #tpu.memory_space<hbm>>) target_semaphore(%arg12 : memref<!tpu.dma_semaphore, #tpu.memory_space<semaphore_mem>>)
    %add3A_394 = arith.constant 16000 : i32
    %add3A_395 = arith.addi %mul3A_73, %add3A_394 : i32
    %dma_wait3A_396 = arith.constant 2 : i32
    %dma_wait3A_397 = arith.constant 0 : i32
    %dma_wait3A_398 = arith.constant 0 : i32
    %dma_wait3A_399 = tpu.memref_slice %arg10[%dma_wait3A_396, %dma_wait3A_397, %dma_wait3A_398] : memref<8x64x128xf32, #tpu.memory_space<vmem>> -> memref<1x64x128xf32, #tpu.memory_space<vmem>>
    %dma_wait3A_400 = tpu.memref_squeeze %dma_wait3A_399 : memref<1x64x128xf32, #tpu.memory_space<vmem>> -> memref<64x128xf32, #tpu.memory_space<vmem>>
    %dma_wait3A_401 = arith.constant 0 : i32
    %dma_wait3A_402 = tpu.memref_slice %arg5[%add3A_395, %dma_wait3A_401] : memref<524288x128xf32, #tpu.memory_space<hbm>> -> memref<64x128xf32, #tpu.memory_space<hbm>>
    %dma_wait3A_403 = arith.constant 0 : i32
    %dma_wait3A_404 = tpu.memref_slice %arg5[%add3A_395, %dma_wait3A_403] : memref<524288x128xf32, #tpu.memory_space<hbm>> -> memref<64x128xf32, #tpu.memory_space<hbm>>
    %dma_wait3A_405 = arith.constant 0 : i32
    %dma_wait3A_406 = arith.constant 0 : i32
    %dma_wait3A_407 = tpu.memref_slice %arg10[%dma_wait3A_396, %dma_wait3A_405, %dma_wait3A_406] : memref<8x64x128xf32, #tpu.memory_space<vmem>> -> memref<1x64x128xf32, #tpu.memory_space<vmem>>
    %dma_wait3A_408 = tpu.memref_squeeze %dma_wait3A_407 : memref<1x64x128xf32, #tpu.memory_space<vmem>> -> memref<64x128xf32, #tpu.memory_space<vmem>>
    tpu.wait_dma2 semaphore(%arg12 : memref<!tpu.dma_semaphore, #tpu.memory_space<semaphore_mem>>) src(%dma_wait3A_408 : memref<64x128xf32, #tpu.memory_space<vmem>>) dst(%dma_wait3A_404 : memref<64x128xf32, #tpu.memory_space<hbm>>)
    %dma_wait3A_409 = arith.constant 127 : i32
    %dma_wait3A_410 = arith.constant 7 : i32
    %dma_wait3A_411 = arith.constant 0 : i32
    %dma_wait3A_412 = arith.constant 0 : i32
    %dma_wait3A_413 = tpu.memref_slice %arg10[%dma_wait3A_410, %dma_wait3A_411, %dma_wait3A_412] : memref<8x64x128xf32, #tpu.memory_space<vmem>> -> memref<1x64x128xf32, #tpu.memory_space<vmem>>
    %dma_wait3A_414 = tpu.memref_squeeze %dma_wait3A_413 : memref<1x64x128xf32, #tpu.memory_space<vmem>> -> memref<64x128xf32, #tpu.memory_space<vmem>>
    %dma_wait3A_415 = arith.constant 64 : i32
    %dma_wait3A_416 = tpu.memref_slice %arg9[%dma_wait3A_409, %dma_wait3A_415] : memref<128x128xi32, #tpu.memory_space<vmem>> -> memref<1x64xi32, #tpu.memory_space<vmem>>
    %dma_wait3A_417 = tpu.memref_squeeze %dma_wait3A_416 : memref<1x64xi32, #tpu.memory_space<vmem>> -> memref<64xi32, #tpu.memory_space<vmem>>
    %dma_wait3A_418 = arith.constant 0 : i32
    %dma_wait3A_419 = arith.constant 0 : i32
    %dma_wait3A_420 = tpu.memref_slice %arg6[%dma_wait3A_418, %dma_wait3A_419] : memref<3328x128xf32, #tpu.memory_space<vmem_shared>> -> memref<3328x128xf32, #tpu.memory_space<vmem_shared>>
    tpu.wait_indirect_dma semaphore(%arg11 : memref<!tpu.dma_semaphore, #tpu.memory_space<semaphore_mem>>) src(%dma_wait3A_420 : memref<3328x128xf32, #tpu.memory_space<vmem_shared>>) dst(%dma_wait3A_414 : memref<64x128xf32, #tpu.memory_space<vmem>>)
    %add3A_421 = arith.constant 16320 : i32
    %add3A_422 = arith.addi %mul3A_73, %add3A_421 : i32
    %dma_start3A_423 = arith.constant 7 : i32
    %dma_start3A_424 = arith.constant 0 : i32
    %dma_start3A_425 = arith.constant 0 : i32
    %dma_start3A_426 = tpu.memref_slice %arg10[%dma_start3A_423, %dma_start3A_424, %dma_start3A_425] : memref<8x64x128xf32, #tpu.memory_space<vmem>> -> memref<1x64x128xf32, #tpu.memory_space<vmem>>
    %dma_start3A_427 = tpu.memref_squeeze %dma_start3A_426 : memref<1x64x128xf32, #tpu.memory_space<vmem>> -> memref<64x128xf32, #tpu.memory_space<vmem>>
    %dma_start3A_428 = arith.constant 0 : i32
    %dma_start3A_429 = tpu.memref_slice %arg5[%add3A_422, %dma_start3A_428] : memref<524288x128xf32, #tpu.memory_space<hbm>> -> memref<64x128xf32, #tpu.memory_space<hbm>>
    %dma_start3A_430 = arith.constant 0 : i32
    %dma_start3A_431 = tpu.memref_slice %arg5[%add3A_422, %dma_start3A_430] : memref<524288x128xf32, #tpu.memory_space<hbm>> -> memref<64x128xf32, #tpu.memory_space<hbm>>
    %dma_start3A_432 = arith.constant 0 : i32
    %dma_start3A_433 = arith.constant 0 : i32
    %dma_start3A_434 = tpu.memref_slice %arg10[%dma_start3A_423, %dma_start3A_432, %dma_start3A_433] : memref<8x64x128xf32, #tpu.memory_space<vmem>> -> memref<1x64x128xf32, #tpu.memory_space<vmem>>
    %dma_start3A_435 = tpu.memref_squeeze %dma_start3A_434 : memref<1x64x128xf32, #tpu.memory_space<vmem>> -> memref<64x128xf32, #tpu.memory_space<vmem>>
    tpu.enqueue_dma source(%dma_start3A_435 : memref<64x128xf32, #tpu.memory_space<vmem>>) target(%dma_start3A_431 : memref<64x128xf32, #tpu.memory_space<hbm>>) target_semaphore(%arg12 : memref<!tpu.dma_semaphore, #tpu.memory_space<semaphore_mem>>)
    %add3A_436 = arith.constant 16064 : i32
    %add3A_437 = arith.addi %mul3A_73, %add3A_436 : i32
    %dma_wait3A_438 = arith.constant 3 : i32
    %dma_wait3A_439 = arith.constant 0 : i32
    %dma_wait3A_440 = arith.constant 0 : i32
    %dma_wait3A_441 = tpu.memref_slice %arg10[%dma_wait3A_438, %dma_wait3A_439, %dma_wait3A_440] : memref<8x64x128xf32, #tpu.memory_space<vmem>> -> memref<1x64x128xf32, #tpu.memory_space<vmem>>
    %dma_wait3A_442 = tpu.memref_squeeze %dma_wait3A_441 : memref<1x64x128xf32, #tpu.memory_space<vmem>> -> memref<64x128xf32, #tpu.memory_space<vmem>>
    %dma_wait3A_443 = arith.constant 0 : i32
    %dma_wait3A_444 = tpu.memref_slice %arg5[%add3A_437, %dma_wait3A_443] : memref<524288x128xf32, #tpu.memory_space<hbm>> -> memref<64x128xf32, #tpu.memory_space<hbm>>
    %dma_wait3A_445 = arith.constant 0 : i32
    %dma_wait3A_446 = tpu.memref_slice %arg5[%add3A_437, %dma_wait3A_445] : memref<524288x128xf32, #tpu.memory_space<hbm>> -> memref<64x128xf32, #tpu.memory_space<hbm>>
    %dma_wait3A_447 = arith.constant 0 : i32
    %dma_wait3A_448 = arith.constant 0 : i32
    %dma_wait3A_449 = tpu.memref_slice %arg10[%dma_wait3A_438, %dma_wait3A_447, %dma_wait3A_448] : memref<8x64x128xf32, #tpu.memory_space<vmem>> -> memref<1x64x128xf32, #tpu.memory_space<vmem>>
    %dma_wait3A_450 = tpu.memref_squeeze %dma_wait3A_449 : memref<1x64x128xf32, #tpu.memory_space<vmem>> -> memref<64x128xf32, #tpu.memory_space<vmem>>
    tpu.wait_dma2 semaphore(%arg12 : memref<!tpu.dma_semaphore, #tpu.memory_space<semaphore_mem>>) src(%dma_wait3A_450 : memref<64x128xf32, #tpu.memory_space<vmem>>) dst(%dma_wait3A_446 : memref<64x128xf32, #tpu.memory_space<hbm>>)
    %add3A_451 = arith.constant 16128 : i32
    %add3A_452 = arith.addi %mul3A_73, %add3A_451 : i32
    %dma_wait3A_453 = arith.constant 4 : i32
    %dma_wait3A_454 = arith.constant 0 : i32
    %dma_wait3A_455 = arith.constant 0 : i32
    %dma_wait3A_456 = tpu.memref_slice %arg10[%dma_wait3A_453, %dma_wait3A_454, %dma_wait3A_455] : memref<8x64x128xf32, #tpu.memory_space<vmem>> -> memref<1x64x128xf32, #tpu.memory_space<vmem>>
    %dma_wait3A_457 = tpu.memref_squeeze %dma_wait3A_456 : memref<1x64x128xf32, #tpu.memory_space<vmem>> -> memref<64x128xf32, #tpu.memory_space<vmem>>
    %dma_wait3A_458 = arith.constant 0 : i32
    %dma_wait3A_459 = tpu.memref_slice %arg5[%add3A_452, %dma_wait3A_458] : memref<524288x128xf32, #tpu.memory_space<hbm>> -> memref<64x128xf32, #tpu.memory_space<hbm>>
    %dma_wait3A_460 = arith.constant 0 : i32
    %dma_wait3A_461 = tpu.memref_slice %arg5[%add3A_452, %dma_wait3A_460] : memref<524288x128xf32, #tpu.memory_space<hbm>> -> memref<64x128xf32, #tpu.memory_space<hbm>>
    %dma_wait3A_462 = arith.constant 0 : i32
    %dma_wait3A_463 = arith.constant 0 : i32
    %dma_wait3A_464 = tpu.memref_slice %arg10[%dma_wait3A_453, %dma_wait3A_462, %dma_wait3A_463] : memref<8x64x128xf32, #tpu.memory_space<vmem>> -> memref<1x64x128xf32, #tpu.memory_space<vmem>>
    %dma_wait3A_465 = tpu.memref_squeeze %dma_wait3A_464 : memref<1x64x128xf32, #tpu.memory_space<vmem>> -> memref<64x128xf32, #tpu.memory_space<vmem>>
    tpu.wait_dma2 semaphore(%arg12 : memref<!tpu.dma_semaphore, #tpu.memory_space<semaphore_mem>>) src(%dma_wait3A_465 : memref<64x128xf32, #tpu.memory_space<vmem>>) dst(%dma_wait3A_461 : memref<64x128xf32, #tpu.memory_space<hbm>>)
    %add3A_466 = arith.constant 16192 : i32
    %add3A_467 = arith.addi %mul3A_73, %add3A_466 : i32
    %dma_wait3A_468 = arith.constant 5 : i32
    %dma_wait3A_469 = arith.constant 0 : i32
    %dma_wait3A_470 = arith.constant 0 : i32
    %dma_wait3A_471 = tpu.memref_slice %arg10[%dma_wait3A_468, %dma_wait3A_469, %dma_wait3A_470] : memref<8x64x128xf32, #tpu.memory_space<vmem>> -> memref<1x64x128xf32, #tpu.memory_space<vmem>>
    %dma_wait3A_472 = tpu.memref_squeeze %dma_wait3A_471 : memref<1x64x128xf32, #tpu.memory_space<vmem>> -> memref<64x128xf32, #tpu.memory_space<vmem>>
    %dma_wait3A_473 = arith.constant 0 : i32
    %dma_wait3A_474 = tpu.memref_slice %arg5[%add3A_467, %dma_wait3A_473] : memref<524288x128xf32, #tpu.memory_space<hbm>> -> memref<64x128xf32, #tpu.memory_space<hbm>>
    %dma_wait3A_475 = arith.constant 0 : i32
    %dma_wait3A_476 = tpu.memref_slice %arg5[%add3A_467, %dma_wait3A_475] : memref<524288x128xf32, #tpu.memory_space<hbm>> -> memref<64x128xf32, #tpu.memory_space<hbm>>
    %dma_wait3A_477 = arith.constant 0 : i32
    %dma_wait3A_478 = arith.constant 0 : i32
    %dma_wait3A_479 = tpu.memref_slice %arg10[%dma_wait3A_468, %dma_wait3A_477, %dma_wait3A_478] : memref<8x64x128xf32, #tpu.memory_space<vmem>> -> memref<1x64x128xf32, #tpu.memory_space<vmem>>
    %dma_wait3A_480 = tpu.memref_squeeze %dma_wait3A_479 : memref<1x64x128xf32, #tpu.memory_space<vmem>> -> memref<64x128xf32, #tpu.memory_space<vmem>>
    tpu.wait_dma2 semaphore(%arg12 : memref<!tpu.dma_semaphore, #tpu.memory_space<semaphore_mem>>) src(%dma_wait3A_480 : memref<64x128xf32, #tpu.memory_space<vmem>>) dst(%dma_wait3A_476 : memref<64x128xf32, #tpu.memory_space<hbm>>)
    %add3A_481 = arith.constant 16256 : i32
    %add3A_482 = arith.addi %mul3A_73, %add3A_481 : i32
    %dma_wait3A_483 = arith.constant 6 : i32
    %dma_wait3A_484 = arith.constant 0 : i32
    %dma_wait3A_485 = arith.constant 0 : i32
    %dma_wait3A_486 = tpu.memref_slice %arg10[%dma_wait3A_483, %dma_wait3A_484, %dma_wait3A_485] : memref<8x64x128xf32, #tpu.memory_space<vmem>> -> memref<1x64x128xf32, #tpu.memory_space<vmem>>
    %dma_wait3A_487 = tpu.memref_squeeze %dma_wait3A_486 : memref<1x64x128xf32, #tpu.memory_space<vmem>> -> memref<64x128xf32, #tpu.memory_space<vmem>>
    %dma_wait3A_488 = arith.constant 0 : i32
    %dma_wait3A_489 = tpu.memref_slice %arg5[%add3A_482, %dma_wait3A_488] : memref<524288x128xf32, #tpu.memory_space<hbm>> -> memref<64x128xf32, #tpu.memory_space<hbm>>
    %dma_wait3A_490 = arith.constant 0 : i32
    %dma_wait3A_491 = tpu.memref_slice %arg5[%add3A_482, %dma_wait3A_490] : memref<524288x128xf32, #tpu.memory_space<hbm>> -> memref<64x128xf32, #tpu.memory_space<hbm>>
    %dma_wait3A_492 = arith.constant 0 : i32
    %dma_wait3A_493 = arith.constant 0 : i32
    %dma_wait3A_494 = tpu.memref_slice %arg10[%dma_wait3A_483, %dma_wait3A_492, %dma_wait3A_493] : memref<8x64x128xf32, #tpu.memory_space<vmem>> -> memref<1x64x128xf32, #tpu.memory_space<vmem>>
    %dma_wait3A_495 = tpu.memref_squeeze %dma_wait3A_494 : memref<1x64x128xf32, #tpu.memory_space<vmem>> -> memref<64x128xf32, #tpu.memory_space<vmem>>
    tpu.wait_dma2 semaphore(%arg12 : memref<!tpu.dma_semaphore, #tpu.memory_space<semaphore_mem>>) src(%dma_wait3A_495 : memref<64x128xf32, #tpu.memory_space<vmem>>) dst(%dma_wait3A_491 : memref<64x128xf32, #tpu.memory_space<hbm>>)
    %add3A_496 = arith.constant 16320 : i32
    %add3A_497 = arith.addi %mul3A_73, %add3A_496 : i32
    %dma_wait3A_498 = arith.constant 7 : i32
    %dma_wait3A_499 = arith.constant 0 : i32
    %dma_wait3A_500 = arith.constant 0 : i32
    %dma_wait3A_501 = tpu.memref_slice %arg10[%dma_wait3A_498, %dma_wait3A_499, %dma_wait3A_500] : memref<8x64x128xf32, #tpu.memory_space<vmem>> -> memref<1x64x128xf32, #tpu.memory_space<vmem>>
    %dma_wait3A_502 = tpu.memref_squeeze %dma_wait3A_501 : memref<1x64x128xf32, #tpu.memory_space<vmem>> -> memref<64x128xf32, #tpu.memory_space<vmem>>
    %dma_wait3A_503 = arith.constant 0 : i32
    %dma_wait3A_504 = tpu.memref_slice %arg5[%add3A_497, %dma_wait3A_503] : memref<524288x128xf32, #tpu.memory_space<hbm>> -> memref<64x128xf32, #tpu.memory_space<hbm>>
    %dma_wait3A_505 = arith.constant 0 : i32
    %dma_wait3A_506 = tpu.memref_slice %arg5[%add3A_497, %dma_wait3A_505] : memref<524288x128xf32, #tpu.memory_space<hbm>> -> memref<64x128xf32, #tpu.memory_space<hbm>>
    %dma_wait3A_507 = arith.constant 0 : i32
    %dma_wait3A_508 = arith.constant 0 : i32
    %dma_wait3A_509 = tpu.memref_slice %arg10[%dma_wait3A_498, %dma_wait3A_507, %dma_wait3A_508] : memref<8x64x128xf32, #tpu.memory_space<vmem>> -> memref<1x64x128xf32, #tpu.memory_space<vmem>>
    %dma_wait3A_510 = tpu.memref_squeeze %dma_wait3A_509 : memref<1x64x128xf32, #tpu.memory_space<vmem>> -> memref<64x128xf32, #tpu.memory_space<vmem>>
    tpu.wait_dma2 semaphore(%arg12 : memref<!tpu.dma_semaphore, #tpu.memory_space<semaphore_mem>>) src(%dma_wait3A_510 : memref<64x128xf32, #tpu.memory_space<vmem>>) dst(%dma_wait3A_506 : memref<64x128xf32, #tpu.memory_space<hbm>>)
    return
  }
}

</mosaic_0001>

<sc_bundles>
// kernel: kernel.3.cloned.1.call-start
scs
__scs_entry_jumppad:
0x0: {  	(pc) =	sbr.rel $0x88, $3  }
0x1: {  	(tag) =	ssettag $0x0;
	lr =	simm.s32 $0x1  }
0x2: {  	[smem:$0x3F9F] =	sst lr;
	_ =	strace $0xD0000000  }
0x3: {  	_ = 	snop  }
0x4: {  	_ = 	snop  }
0x5: {  	_ = 	snop  }
0x6: {  	_ = 	snop  }
0x7: {  	_ = 	snop  }
__scs_overlays_trampoline_lowered:
0x8: {  	[smem:$0x3FAE] =	sst s0  }
0x9: {  	[smem:$0x3FAF] =	sst s1  }
0xa: {  	[smem:$0x3FB0] =	sst s2  }
0xb: {  	[smem:$0x3FB1] =	sst s3  }
0xc: {  	[smem:$0x3FB2] =	sst s4  }
0xd: {  	[smem:$0x3FB3] =	sst s5  }
0xe: {  	[smem:$0x3FB4] =	sst s6  }
0xf: {  	[smem:$0x3FB5] =	sst s7  }
0x10: {  	[smem:$0x3FB6] =	sst s8  }
0x11: {  	[smem:$0x3FB7] =	sst s9;
	s0 =	simm.s32 @!p0 $0x0  }
0x12: {  	s1 =	sld [smem:$0x3F9D];
	s0 =	simm.s32 @p0 $0x1  }
0x13: {  	[smem:$0x3FB8] =	sst s0;
	s0 =	simm.s32 @!p1 $0x0  }
0x14: {  	s2 =	sld [smem:$0x3F9C];
	s0 =	simm.s32 @p1 $0x1  }
0x15: {  	[smem:$0x3FB9] =	sst s0;
	s0 =	simm.s32 @!p2 $0x0  }
0x16: {  	s3 =	sld [smem:$0x3FDB];
	s0 =	simm.s32 @p2 $0x1  }
0x17: {  	s4 =	simm.s32 $0x1BF5;
	[smem:$0x3FBB] =	sst s0  }
0x18: {  	s0 =	sld [smem:$0x3F9E];
	_ =	swait.ge [sflag:s4], $0x0  }
0x19: {  	s7 =	sld [smem:$0x3F9F]  }
0x1a: {  	s8 =	sadd.s32 $0xFFFFE003, lr  }
0x1b: {  	s9 =	sadd.s32 $0xFFFFFEF7, lr;
	s5 =	simm.s32 $0xFFFFFFFF;
	p2 =	slt.u32 s8, $0xFFFFF086  }
0x1c: {  	p1 =	slt.u32 s9, $0xF7A;
	s5 =	simm.s32 @!p2 $0x0  }
0x1d: {  	s5 =	simm.s32 @p1 $0x1;
	p0 =	seq.s32 s7, s2  }
0x1e: {  	s7 =	smul.u32 @!p0 $0xF7A, s2;
	p2 =	seq.s32 @!p0 s5, $0x0  }
0x1f: {  	s9 =	smul.u32 $0xF7A, s1;
	s8 =	simm.s32 @!p0 $0x1BF5;
	p2 =	por !p2, p0  }
0x20: {  	[sflag:s8] =	ssyncset.s32 @!p0 $0xFFFFF086;
	s6 =	sadd.s32 @!p0 s3, s7;
	s7 =	simm.s32 @!p0 $0x108  }
0x21: {  	s3 =	sadd.s32 s3, s9;
	s6 =	sadd.s32 @!p0 $0x88, s6;
	s7 =	simm.s32 @p2 $0x1082  }
0x22: {  	[simem:s7], [sflag:s8] =	dma.local @!p0 [hbm:s6], $0xF7A  }
0x23: {  	s9 =	sor.u32 $0xD0000000, s2;
	s6 =	simm.s32 $0x108;
	_ =	swait.ge @!p0 [sflag:s8], $0x0  }
0x24: {  	s3 =	sadd.s32 $0x88, s3;
	s6 =	simm.s32 @!p1 $0x1082;
	[sflag:s4] =	ssyncset.s32 $0xFFFFF086  }
0x25: {  	[simem:s6], [sflag:s4] =	dma.local [hbm:s3], $0xF7A  }
0x26: {  	[smem:$0x3F9F] =	sst s1;
	(tag) =	ssettag s2;
	_ =	strace s9  }
0x27: {  	s1 =	sld [smem:$0x3FAF]  }
0x28: {  	s2 =	sld [smem:$0x3FB0]  }
0x29: {  	s4 =	sld [smem:$0x3FB2]  }
0x2a: {  	p0 =	seq.s32 s5, $0x0;
	s5 =	sld [smem:$0x3FB3]  }
0x2b: {  	s6 =	sld [smem:$0x3FB4]  }
0x2c: {  	s7 =	sld [smem:$0x3FB5]  }
0x2d: {  	s3 =	simm.s32 $0x108;
	s8 =	sld [smem:$0x3FB6]  }
0x2e: {  	s3 =	simm.s32 @!p0 $0x1082;
	s9 =	sld [smem:$0x3FB7]  }
0x2f: {  	lr =	sadd.s32 s0, s3;
	s0 =	sld [smem:$0x3FAE]  }
0x30: {  	s3 =	sld [smem:$0x3FB1]  }
0x31: {  	[smem:$0x3FBA] =	sst s10  }
0x32: {  	s10 =	sld [smem:$0x3FB8];
	_ =	sdelay $0x3  }
0x33: {  	p0 =	seq.s32 s10, $0x1;
	s10 =	sld [smem:$0x3FBA];
	_ =	sdelay $0x3  }
0x34: {  	[smem:$0x3FBA] =	sst s10  }
0x35: {  	s10 =	sld [smem:$0x3FB9];
	_ =	sdelay $0x3  }
0x36: {  	p1 =	seq.s32 s10, $0x1;
	s10 =	sld [smem:$0x3FBA];
	_ =	sdelay $0x3  }
0x37: {  	[smem:$0x3FBA] =	sst s10  }
0x38: {  	s10 =	sld [smem:$0x3FBB]  }
0x39: {  	_ = 	snop;
	(pc) =	sbr.ind lr, $3  }
0x3a: {  	_ = 	snop  }
0x3b: {  	_ = 	snop  }
0x3c: {  	p2 =	seq.s32 s10, $0x1;
	s10 =	sld [smem:$0x3FBA]  }
0x3d: {  	_ =	shalt  }
0x3e: {  	_ =	shalt  }
0x3f: {  	_ =	shalt  }
0x40: {  	_ =	shalt  }
0x41: {  	_ =	shalt  }
0x42: {  	_ =	shalt  }
0x43: {  	_ =	shalt  }
0x44: {  	_ =	shalt  }
0x45: {  	_ =	shalt  }
0x46: {  	_ =	shalt  }
0x47: {  	_ =	shalt  }
0x48: {  	_ =	shalt  }
0x49: {  	_ =	shalt  }
0x4a: {  	_ =	shalt  }
0x4b: {  	_ =	shalt  }
0x4c: {  	_ =	shalt  }
0x4d: {  	_ =	shalt  }
0x4e: {  	_ =	shalt  }
0x4f: {  	_ =	shalt  }
0x50: {  	_ =	shalt  }
0x51: {  	_ =	shalt  }
0x52: {  	_ =	shalt  }
0x53: {  	_ =	shalt  }
0x54: {  	_ =	shalt  }
0x55: {  	_ =	shalt  }
0x56: {  	_ =	shalt  }
0x57: {  	_ =	shalt  }
0x58: {  	_ =	shalt  }
0x59: {  	_ =	shalt  }
0x5a: {  	_ =	shalt  }
0x5b: {  	_ =	shalt  }
0x5c: {  	_ =	shalt  }
0x5d: {  	_ =	shalt  }
0x5e: {  	_ =	shalt  }
0x5f: {  	_ =	shalt  }
0x60: {  	_ =	shalt  }
0x61: {  	_ =	shalt  }
0x62: {  	_ =	shalt  }
0x63: {  	_ =	shalt  }
0x64: {  	_ =	shalt  }
0x65: {  	_ =	shalt  }
0x66: {  	_ =	shalt  }
0x67: {  	_ =	shalt  }
0x68: {  	_ =	shalt  }
0x69: {  	_ =	shalt  }
0x6a: {  	_ =	shalt  }
0x6b: {  	_ =	shalt  }
0x6c: {  	_ =	shalt  }
0x6d: {  	_ =	shalt  }
0x6e: {  	_ =	shalt  }
0x6f: {  	_ =	shalt  }
0x70: {  	_ =	shalt  }
0x71: {  	_ =	shalt  }
0x72: {  	_ =	shalt  }
0x73: {  	_ =	shalt  }
0x74: {  	_ =	shalt  }
0x75: {  	_ =	shalt  }
0x76: {  	_ =	shalt  }
0x77: {  	_ =	shalt  }
0x78: {  	_ =	shalt  }
0x79: {  	_ =	shalt  }
0x7a: {  	_ =	shalt  }
0x7b: {  	_ =	shalt  }
0x7c: {  	_ =	shalt  }
0x7d: {  	_ =	shalt  }
0x7e: {  	_ =	shalt  }
0x7f: {  	_ =	shalt  }
0x80: {  	_ =	shalt  }
0x81: {  	_ =	shalt  }
0x82: {  	_ =	shalt  }
0x83: {  	_ =	shalt  }
0x84: {  	_ =	shalt  }
0x85: {  	_ =	shalt  }
0x86: {  	_ =	shalt  }
0x87: {  	_ =	shalt  }
.Lfunc_end0:
.L_simem_size_0:
called_computation_lowered:
.L_overlay_start_0:
0x88: {  	s2 =	sld [smem:$0x3FD9]  }
0x89: {  	s3 =	sld [smem:$0x3FFE];
	_ =	sdelay $0x1  }
0x8a: {  	s1 =	srdreg.scid  }
0x8b: {  	s0 =	sand.u32 $0x1, s1  }
0x8c: {  	s17 =	sshll.u32 s0, $0xA;
	s2 =	sadd.s32 s3, s2  }
0x8d: {  	s2 =	sadd.s32 s2, s17  }
0x8e: {  	[smem:$0x3FC6] =	sst s2  }
0x8f: {  	_ = 	snop  }
0x90: {  	s2 =	sld [smem:$0x3FC8]  }
0x91: {  	s18 =	sld [smem:$0x3FD0];
	(tm) =	ssettm $0x1  }
0x92: {  	s4 =	sld [smem:$0x3FFB];
	_ =	sdelay $0x3  }
0x93: {  	_ =	strace s4  }
0x94: {  	s4 =	sld [smem:$0x3FFC];
	_ =	sdelay $0x3  }
0x95: {  	_ =	strace s4  }
0x96: {  	s4 =	sld [smem:$0x3FFD];
	_ =	sdelay $0x3  }
0x97: {  	_ =	strace s4  }
0x98: {  	_ =	strace $0x8FFFFFFF  }
0x99: {  	s19 =	sld [smem:$0x3FDB];
	_ =	sdelay $0x1  }
0x9a: {  	s5 =	simm.s32 $_scs_section_size  }
0x9b: {  	s6 =	simm.s32 $_size__tile_overlayer_lowered;
	s7 =	simm.s32 $_tile_overlayer_lowered  }
0x9c: {  	s22 =	simm.s32 $0x1BFF;
	s21 =	sshll.u32 s7, $0x1;
	s4 =	sadd.s32 s5, s19  }
0x9d: {  	s8 =	simm.s32 $0x0;
	s20 =	sshll.u32 s6, $0x1;
	s6 =	sadd.s32 s21, s4  }
0x9e: {  	[timem:s8], [sflag:s22] =	dma.local [hbm:s6], s20  }
0x9f: {  	_ =	swait.ge [sflag:s22], s20  }
0xa0: {  	s5 =	ssub.s32 $0x0, s20;
	[sflag:s22] =	ssyncset.done $0x0  }
0xa1: {  	[sflag:s22] =	ssyncadd.s32 s5;
	_ =	sdelay $0x1  }
0xa2: {  	s23 =	simm.s32 $0x1B8B  }
0xa3: {  	_ =	swait.ge [sflag:s23], $0x1  }
0xa4: {  	[sflag:s23] =	ssyncset.done $0x0  }
0xa5: {  	s25 =	simm.s32 $0x1B8E;
	s24 =	sld [smem:$0x3FFE];
	[sflag:s23] =	ssyncadd.s32 $0xFFFFFFFF  }
0xa6: {  	s26 =	simm.s32 $execute0_lowered;
	[smem:$0x3FD2] =	sst s25  }
0xa7: {  	s6 =	sshll.u32 s26, $0x1;
	_ =	strace $0x80000046;
	[dreg:$0x1] =	wrdreg $0xFFFFFFFF  }
0xa8: {  	s28 =	simm.s32 $_size_execute0_lowered;
	s4 =	sadd.s32 s4, s6;
	[dreg:$0x0] =	wrdreg $0x0  }
0xa9: {  	s6 =	sshll.u32 s28, $0x1;
	[dreg:$0x2] =	wrdreg s4  }
0xaa: {  	[dreg:$0x3] =	wrdreg s6  }
0xab: {  	[dreg:$0x4] =	wrdreg $0xC0  }
0xac: {  	_ =	task [dreg:s8], $0x5FFFF  }
0xad: {  	[dreg:$0x1] =	wrdreg $0xFFFFFFFF  }
0xae: {  	[dreg:$0x0] =	wrdreg $0x60  }
0xaf: {  	[dreg:$0x2] =	wrdreg s24  }
0xb0: {  	[dreg:$0x3] =	wrdreg s2  }
0xb1: {  	[dreg:$0x4] =	wrdreg s18  }
0xb2: {  	[dreg:$0x5] =	wrdreg $0x0  }
0xb3: {  	[dreg:$0x6] =	wrdreg $0x9  }
0xb4: {  	_ =	task.clear_ibuf [dreg:s8], $0x7FFFF;
	_ =	strace $0x90000046  }
0xb5: {  	s29 =	simm.s32 $0x9;
	_ =	strace $0x80000048  }
0xb6: {  	_ =	swait.ge [sflag:s29], $0x1  }
0xb7: {  	[sflag:s29] =	ssyncadd.s32 $0xFFFFFFFF  }
0xb8: {  	_ =	strace $0x90000048  }
0xb9: {  	_ =	sfence  }
0xba: {  	s30 =	sld [smem:$0x0];
	_ =	sdelay $0x2  }
0xbb: {  	s31 =	sshll.u32 s1, $0xD;
	s1 =	sshrl.u32 s1, $0x2  }
0xbc: {  	s3 =	sand.u32 $0x4000, s31;
	s1 =	sadd.s32 s1, s30  }
0xbd: {  	s0 =	sor.u32 s3, s0;
	s1 =	sshll.u32 s1, $0x11  }
0xbe: {  	s0 =	sor.u32 s1, s0  }
0xbf: {  	s0 =	sadd.s32 $0x8F2B, s0  }
0xc0: {  	[sflag:s0] =	ssyncadd.remote.s32 $0x1  }
0xc1: {  	_ =	sfence.sel $0xFFFF  }
0xc2: {  	[dreg:$0x0] =	wrdreg $0xFFFFFFFF;
	(pc) =	sbr.abs _section_cstart, $3  }
0xc3: {  	[dreg:$0x1] =	wrdreg $0xFFFFFFFF  }
0xc4: {  	_ =	task.clear_ibuf [dreg:s8], $0x2FFFF;
	_ =	strace $0x9FFFFFFF  }
0xc5: {  	(tm) =	ssettm $0x7FFFFFFF  }
tec
execute0_lowered:
.L_overlay_start_1:
0x0: {  	(tag) =	ssettag $0x1  }
0x1: {  	s10 =	rddreg [dreg:$0x0]  }
0x2: {  	s15 =	rddreg [dreg:$0x1]  }
0x3: {  	s0 =	rddreg [dreg:$0x2]  }
0x4: {  	s4 =	rddreg [dreg:$0x3]  }
0x5: {  	s1 =	srdreg.scid;
	s12 =	stileid.u32;
	s5 =	simm.s32 $0x0  }
0x6: {  	s14 =	simm.s32 $0xAC00;
	s28 =	simm.s32 $0x40;
	s29 =	simm.s32 $0xEC00  }
0x7: {  	s31 =	simm.s32 $0x10C00;
	s30 =	simm.s32 $0x1;
	s1 =	sand.u32 $0x1, s1  }
0x8: {  	s2 =	sshll.u32 s12, $0x1;
	[smem:$0x7FF] =	sst s5;
	s8 =	sor.u32 $0x10, s12  }
0x9: {  	s9 =	smul.u32 $0xD000, s12;
	s26 =	sshll.u32 s12, $0x13;
	s2 =	sor.u32 s1, s2  }
0xa: {  	_ =	strace $0x80000047;
	s6 =	ssub.s32 $0x2, s1;
	s20 =	smul.u32 $0xD000, s8  }
0xb: {  	s1 =	sshll.u32 s1, $0x12;
	s3 =	sshll.u32 s2, $0xB;
	s7 =	sshrl.u32 s6, $0x1  }
0xc: {  	s21 =	sshrl.u32 s9, $0x2;
	s2 =	sshll.u32 s2, $0x12;
	s9 =	sshll.u32 s8, $0x7  }
0xd: {  	s8 =	simm.s32 $0x2;
	s3 =	sadd.s32 s3, s10;
	s6 =	ssub.s32 s6, s7  }
0xe: {  	s7 =	sshll.u32 s12, $0x7;
	s22 =	sshrl.u32 s20, $0x2;
	s11 =	sadd.s32 s0, s2  }
0xf: {  	s0 =	sadd.s32 s26, s0;
	s26 =	simm.s32 $0x5;
	s10 =	simm.s32 $0x0  }
0x10: {  	s3 =	sadd.s32 $0x200, s3;
	s2 =	sadd.s32 $0x400, s11;
	s23 =	sadd.s32 $0x800, s11  }
0x11: {  	s24 =	sadd.s32 $0xC00, s11;
	s25 =	sadd.s32 $0x3F000, s11;
	[dreg:$0x6] =	wrdreg s3  }
0x12: {  	s16 =	sadd.s32 $0x3F400, s11;
	s17 =	sadd.s32 $0x3F800, s11;
	[dreg:$0x9] =	wrdreg s2  }
0x13: {  	s18 =	sadd.s32 $0x3FC00, s11;
	s19 =	smax.u32 s6, $0x1;
	[dreg:$0xa] =	wrdreg s23  }
0x14: {  	s0 =	sadd.s32 s1, s0;
	s1 =	simm.s32 $0x16C00;
	[dreg:$0xb] =	wrdreg s24  }
0x15: {  	s6 =	simm.s32 $0x1CC00;
	s3 =	sadd.s32 s21, s4;
	[dreg:$0xc] =	wrdreg s25  }
0x16: {  	v0 =	vlaneseq.u32;
	[dreg:$0x5] =	wrdreg s0;
	s23 =	simm.s32 $0x4;
	s24 =	simm.s32 $0x6  }
0x17: {  	v0 =	vmul.u32 $0x68, v0;
	s25 =	simm.s32 $0x3;
	s21 =	simm.s32 $0x14C00;
	s0 =	simm.s32 $0x18C00  }
0x18: {  	s2 =	simm.s32 $0x1AC00;
	[dreg:$0x7] =	wrdreg s3;
	s3 =	sadd.s32 s22, s4  }
0x19: {  	v1 =	vadd.s32 $0x680, v0;
	s22 =	simm.s32 $0x6800;
	[dreg:$0x8] =	wrdreg s3;
	s3 =	simm.s32 $0x12C00  }
.LBB2_1:
0x1a: {  	s12 =	rddreg [dreg:$0x6]  }
0x1b: {  	[tilespmem:s14], [sflag:$0x3] =	stream.linear.gather [hbm4b:s12+s5], $0x4000, $0x38;
	[tilespmem:$0x1EC00] =	vst v63  }
0x1c: {  	s20 =	rddreg [dreg:$0x0];
	s13 =	simm.s32 $0x9C00  }
0x1d: {  	[tilespmem:s13], [sflag:$0x4] =	stream.linear.gather [hbm4b:s20+s5], $0x1000, $0x38;
	[tilespmem:$0x1EC00] =	vst v63  }
0x1e: {  	_ = 	snop  }
0x1f: {  	[tilespmem:s22], [sflag:$0x4] =	stream.linear.gather [hbm4b:s15+s5], $0x3100, $0x38;
	[tilespmem:$0x1EC00] =	vst v63  }
0x20: {  	_ =	swait.ge [sflag:s23], $0x1000  }
0x21: {  	[sflag:s23] =	ssyncset.done $0x0  }
0x22: {  	[sflag:s23] =	ssyncadd.s32 $0xFFFFF000  }
0x23: {  	_ =	swait.ge [sflag:s23], $0x3100  }
0x24: {  	[sflag:s23] =	ssyncset.done $0x0  }
0x25: {  	s12 =	simm.s32 $0x0;
	[sflag:s23] =	ssyncadd.s32 $0xFFFFCF00  }
0x26: {  	s13 =	simm.s32 $0x200;
	v2 =	vld [tilespmem:s12+$0x6800]  }
.LBB2_2:
0x27: {  	p0 =	sne.s32 s13, $0xC200;
	v3 =	vld [tilespmem:s7+$0x9C00];
	_ =	sdelay $0x4  }
0x28: {  	v2 =	vadd.f32 v3, v2;
	_ =	sdelay $0x1  }
0x29: {  	[tilespmem:s12+$0x6800] =	vst v2;
	v2 =	vld [tilespmem:s12+$0x6810]  }
0x2a: {  	v3 =	vld [tilespmem:s7+$0x9C10];
	_ =	sdelay $0x4  }
0x2b: {  	v2 =	vadd.f32 v3, v2;
	_ =	sdelay $0x1  }
0x2c: {  	[tilespmem:s12+$0x6810] =	vst v2;
	v2 =	vld [tilespmem:s12+$0x6820]  }
0x2d: {  	v3 =	vld [tilespmem:s7+$0x9C20];
	_ =	sdelay $0x4  }
0x2e: {  	v2 =	vadd.f32 v3, v2;
	_ =	sdelay $0x1  }
0x2f: {  	[tilespmem:s12+$0x6820] =	vst v2;
	v2 =	vld [tilespmem:s12+$0x6830]  }
0x30: {  	v3 =	vld [tilespmem:s7+$0x9C30];
	_ =	sdelay $0x4  }
0x31: {  	v2 =	vadd.f32 v3, v2;
	_ =	sdelay $0x1  }
0x32: {  	[tilespmem:s12+$0x6830] =	vst v2;
	v2 =	vld [tilespmem:s12+$0x6840]  }
0x33: {  	v3 =	vld [tilespmem:s7+$0x9C40];
	_ =	sdelay $0x4  }
0x34: {  	v2 =	vadd.f32 v3, v2;
	_ =	sdelay $0x1  }
0x35: {  	[tilespmem:s12+$0x6840] =	vst v2;
	v2 =	vld [tilespmem:s12+$0x6850]  }
0x36: {  	v3 =	vld [tilespmem:s7+$0x9C50];
	_ =	sdelay $0x4  }
0x37: {  	v2 =	vadd.f32 v3, v2;
	_ =	sdelay $0x1  }
0x38: {  	[tilespmem:s12+$0x6850] =	vst v2;
	v2 =	vld [tilespmem:s12+$0x6860]  }
0x39: {  	v3 =	vld [tilespmem:s7+$0x9C60];
	_ =	sdelay $0x4  }
0x3a: {  	v2 =	vadd.f32 v3, v2;
	_ =	sdelay $0x1  }
0x3b: {  	[tilespmem:s12+$0x6860] =	vst v2;
	v2 =	vld [tilespmem:s12+$0x6870]  }
0x3c: {  	v3 =	vld [tilespmem:s7+$0x9C70];
	_ =	sdelay $0x2  }
.Ltmp0:
0x3d: {  	(pc) =	sbr.rel @p0 .LBB2_2-.Ltmp0, $4  }
0x3e: {  	_ = 	snop  }
0x3f: {  	v3 =	vadd.f32 v3, v2  }
0x40: {  	s20 =	sshra.s32 s13, $0x2  }
0x41: {  	s13 =	sadd.s32 $0x200, s13;
	v2 =	vld [tilespmem:s20+$0x6800];
	[tilespmem:s12+$0x6870] =	vst v3;
	s12 =	smov.u32 s20  }
0x42: {  	v3 =	vld [tilespmem:s7+$0x9C00];
	_ =	sdelay $0x4  }
0x43: {  	v2 =	vadd.f32 v3, v2;
	_ =	sdelay $0x1  }
0x44: {  	[tilespmem:s12+$0x6800] =	vst v2;
	v2 =	vld [tilespmem:s12+$0x6810]  }
0x45: {  	v3 =	vld [tilespmem:s7+$0x9C10];
	_ =	sdelay $0x4  }
0x46: {  	v2 =	vadd.f32 v3, v2;
	_ =	sdelay $0x1  }
0x47: {  	[tilespmem:s12+$0x6810] =	vst v2;
	v2 =	vld [tilespmem:s12+$0x6820]  }
0x48: {  	v3 =	vld [tilespmem:s7+$0x9C20];
	_ =	sdelay $0x4  }
0x49: {  	v2 =	vadd.f32 v3, v2;
	_ =	sdelay $0x1  }
0x4a: {  	[tilespmem:s12+$0x6820] =	vst v2;
	v2 =	vld [tilespmem:s12+$0x6830]  }
0x4b: {  	v3 =	vld [tilespmem:s7+$0x9C30];
	_ =	sdelay $0x4  }
0x4c: {  	v2 =	vadd.f32 v3, v2;
	_ =	sdelay $0x1  }
0x4d: {  	[tilespmem:s12+$0x6830] =	vst v2;
	v2 =	vld [tilespmem:s12+$0x6840]  }
0x4e: {  	v3 =	vld [tilespmem:s7+$0x9C40];
	_ =	sdelay $0x4  }
0x4f: {  	v2 =	vadd.f32 v3, v2;
	_ =	sdelay $0x1  }
0x50: {  	[tilespmem:s12+$0x6840] =	vst v2;
	v2 =	vld [tilespmem:s12+$0x6850]  }
0x51: {  	v3 =	vld [tilespmem:s7+$0x9C50];
	_ =	sdelay $0x4  }
0x52: {  	v2 =	vadd.f32 v3, v2;
	_ =	sdelay $0x1  }
0x53: {  	[tilespmem:s12+$0x6850] =	vst v2;
	v2 =	vld [tilespmem:s12+$0x6860]  }
0x54: {  	v3 =	vld [tilespmem:s7+$0x9C60];
	_ =	sdelay $0x4  }
0x55: {  	v2 =	vadd.f32 v3, v2;
	_ =	sdelay $0x1  }
0x56: {  	[tilespmem:s12+$0x6860] =	vst v2;
	v2 =	vld [tilespmem:s12+$0x6870]  }
0x57: {  	v3 =	vld [tilespmem:s7+$0x9C70];
	_ =	sdelay $0x4  }
0x58: {  	v2 =	vadd.f32 v3, v2;
	_ =	sdelay $0x1  }
0x59: {  	s13 =	rddreg [dreg:$0x7];
	[tilespmem:s12+$0x6870] =	vst v2  }
0x5a: {  	[spmem:s13] =	stream.linear.scatter [tilespmem:s22], [sflag:$0x6], $0x3400, $0x38;
	[tilespmem:$0x1EC00] =	vst v63  }
0x5b: {  	_ =	swait.ge [sflag:s24], $0x3400  }
0x5c: {  	[sflag:s24] =	ssyncset.done $0x0  }
0x5d: {  	s20 =	simm.s32 $0x0;
	[sflag:s24] =	ssyncadd.s32 $0xFFFFCC00  }
0x5e: {  	[tilespmem:s22], [sflag:$0x4] =	stream.linear.gather [hbm4b:s15+s20], $0x3100, $0x38;
	[tilespmem:$0x1EC00] =	vst v63  }
0x5f: {  	_ =	swait.ge [sflag:s23], $0x3100  }
0x60: {  	[sflag:s23] =	ssyncset.done $0x0  }
0x61: {  	s12 =	simm.s32 $0x0;
	[sflag:s23] =	ssyncadd.s32 $0xFFFFCF00  }
0x62: {  	s13 =	simm.s32 $0x200;
	v2 =	vld [tilespmem:s12+$0x6800]  }
.LBB2_4:
0x63: {  	p0 =	sne.s32 s13, $0xC200;
	v3 =	vld [tilespmem:s9+$0x9C00];
	_ =	sdelay $0x4  }
0x64: {  	v2 =	vadd.f32 v3, v2;
	_ =	sdelay $0x1  }
0x65: {  	[tilespmem:s12+$0x6800] =	vst v2;
	v2 =	vld [tilespmem:s12+$0x6810]  }
0x66: {  	v3 =	vld [tilespmem:s9+$0x9C10];
	_ =	sdelay $0x4  }
0x67: {  	v2 =	vadd.f32 v3, v2;
	_ =	sdelay $0x1  }
0x68: {  	[tilespmem:s12+$0x6810] =	vst v2;
	v2 =	vld [tilespmem:s12+$0x6820]  }
0x69: {  	v3 =	vld [tilespmem:s9+$0x9C20];
	_ =	sdelay $0x4  }
0x6a: {  	v2 =	vadd.f32 v3, v2;
	_ =	sdelay $0x1  }
0x6b: {  	[tilespmem:s12+$0x6820] =	vst v2;
	v2 =	vld [tilespmem:s12+$0x6830]  }
0x6c: {  	v3 =	vld [tilespmem:s9+$0x9C30];
	_ =	sdelay $0x4  }
0x6d: {  	v2 =	vadd.f32 v3, v2;
	_ =	sdelay $0x1  }
0x6e: {  	[tilespmem:s12+$0x6830] =	vst v2;
	v2 =	vld [tilespmem:s12+$0x6840]  }
0x6f: {  	v3 =	vld [tilespmem:s9+$0x9C40];
	_ =	sdelay $0x4  }
0x70: {  	v2 =	vadd.f32 v3, v2;
	_ =	sdelay $0x1  }
0x71: {  	[tilespmem:s12+$0x6840] =	vst v2;
	v2 =	vld [tilespmem:s12+$0x6850]  }
0x72: {  	v3 =	vld [tilespmem:s9+$0x9C50];
	_ =	sdelay $0x4  }
0x73: {  	v2 =	vadd.f32 v3, v2;
	_ =	sdelay $0x1  }
0x74: {  	[tilespmem:s12+$0x6850] =	vst v2;
	v2 =	vld [tilespmem:s12+$0x6860]  }
0x75: {  	v3 =	vld [tilespmem:s9+$0x9C60];
	_ =	sdelay $0x4  }
0x76: {  	v2 =	vadd.f32 v3, v2;
	_ =	sdelay $0x1  }
0x77: {  	[tilespmem:s12+$0x6860] =	vst v2;
	v2 =	vld [tilespmem:s12+$0x6870]  }
0x78: {  	v3 =	vld [tilespmem:s9+$0x9C70];
	_ =	sdelay $0x2  }
.Ltmp1:
0x79: {  	(pc) =	sbr.rel @p0 .LBB2_4-.Ltmp1, $4  }
0x7a: {  	_ = 	snop  }
0x7b: {  	v3 =	vadd.f32 v3, v2  }
0x7c: {  	s20 =	sshra.s32 s13, $0x2  }
0x7d: {  	s13 =	sadd.s32 $0x200, s13;
	v2 =	vld [tilespmem:s20+$0x6800];
	[tilespmem:s12+$0x6870] =	vst v3;
	s12 =	smov.u32 s20  }
0x7e: {  	v3 =	vld [tilespmem:s9+$0x9C00];
	_ =	sdelay $0x4  }
0x7f: {  	v2 =	vadd.f32 v3, v2;
	_ =	sdelay $0x1  }
0x80: {  	[tilespmem:s12+$0x6800] =	vst v2;
	v2 =	vld [tilespmem:s12+$0x6810]  }
0x81: {  	v3 =	vld [tilespmem:s9+$0x9C10];
	_ =	sdelay $0x4  }
0x82: {  	v2 =	vadd.f32 v3, v2;
	_ =	sdelay $0x1  }
0x83: {  	[tilespmem:s12+$0x6810] =	vst v2;
	v2 =	vld [tilespmem:s12+$0x6820]  }
0x84: {  	v3 =	vld [tilespmem:s9+$0x9C20];
	_ =	sdelay $0x4  }
0x85: {  	v2 =	vadd.f32 v3, v2;
	_ =	sdelay $0x1  }
0x86: {  	[tilespmem:s12+$0x6820] =	vst v2;
	v2 =	vld [tilespmem:s12+$0x6830]  }
0x87: {  	v3 =	vld [tilespmem:s9+$0x9C30];
	_ =	sdelay $0x4  }
0x88: {  	v2 =	vadd.f32 v3, v2;
	_ =	sdelay $0x1  }
0x89: {  	[tilespmem:s12+$0x6830] =	vst v2;
	v2 =	vld [tilespmem:s12+$0x6840]  }
0x8a: {  	v3 =	vld [tilespmem:s9+$0x9C40];
	_ =	sdelay $0x4  }
0x8b: {  	v2 =	vadd.f32 v3, v2;
	_ =	sdelay $0x1  }
0x8c: {  	[tilespmem:s12+$0x6840] =	vst v2;
	v2 =	vld [tilespmem:s12+$0x6850]  }
0x8d: {  	v3 =	vld [tilespmem:s9+$0x9C50];
	_ =	sdelay $0x4  }
0x8e: {  	v2 =	vadd.f32 v3, v2;
	_ =	sdelay $0x1  }
0x8f: {  	[tilespmem:s12+$0x6850] =	vst v2;
	v2 =	vld [tilespmem:s12+$0x6860]  }
0x90: {  	v3 =	vld [tilespmem:s9+$0x9C60];
	_ =	sdelay $0x4  }
0x91: {  	v2 =	vadd.f32 v3, v2;
	_ =	sdelay $0x1  }
0x92: {  	[tilespmem:s12+$0x6860] =	vst v2;
	v2 =	vld [tilespmem:s12+$0x6870]  }
0x93: {  	v3 =	vld [tilespmem:s9+$0x9C70];
	_ =	sdelay $0x4  }
0x94: {  	v2 =	vadd.f32 v3, v2;
	_ =	sdelay $0x1  }
0x95: {  	s20 =	rddreg [dreg:$0x8];
	[tilespmem:s12+$0x6870] =	vst v2  }
0x96: {  	[spmem:s20] =	stream.linear.scatter [tilespmem:s22], [sflag:$0x5], $0x3400, $0x38;
	[tilespmem:$0x1EC00] =	vst v63  }
0x97: {  	_ =	swait.ge [sflag:s25], $0x4000  }
0x98: {  	[sflag:s25] =	ssyncset.done $0x0  }
0x99: {  	s12 =	simm.s32 $0x0;
	[sflag:s25] =	ssyncadd.s32 $0xFFFFC000  }
0x9a: {  	v4 =	vld [tilespmem:s12+$0xAC00]  }
0x9b: {  	v6 =	vld [tilespmem:s12+$0xAC10]  }
0x9c: {  	v5 =	vld [tilespmem:s12+$0xAC20]  }
0x9d: {  	v3 =	vld [tilespmem:s12+$0xAC30]  }
0x9e: {  	v2 =	vld [tilespmem:s12+$0xAC40]  }
0x9f: {  	v7 =	vadd.s32 v0, v4;
	v4 =	vld [tilespmem:s12+$0xAC50]  }
0xa0: {  	s13 =	simm.s32 $0x200;
	[tilespmem:s12+$0xAC00] =	vst v7;
	v7 =	vadd.s32 v1, v6;
	v6 =	vld [tilespmem:s12+$0xAC60]  }
.LBB2_6:
0xa1: {  	s20 =	sshra.s32 s13, $0x2;
	p0 =	sne.s32 s13, $0xFE00;
	[tilespmem:s12+$0xAC10] =	vst v7;
	v5 =	vadd.s32 v0, v5;
	v7 =	vld [tilespmem:s12+$0xAC70]  }
0xa2: {  	v8 =	vld [tilespmem:s20+$0xAC00];
	[tilespmem:s12+$0xAC20] =	vst v5;
	v3 =	vadd.s32 v1, v3  }
0xa3: {  	v9 =	vld [tilespmem:s20+$0xAC10];
	[tilespmem:s12+$0xAC30] =	vst v3;
	v2 =	vadd.s32 v0, v2  }
.Ltmp2:
0xa4: {  	v5 =	vld [tilespmem:s20+$0xAC20];
	[tilespmem:s12+$0xAC40] =	vst v2;
	v2 =	vadd.s32 v1, v4;
	(pc) =	sbr.rel @p0 .LBB2_6-.Ltmp2, $4  }
0xa5: {  	v3 =	vld [tilespmem:s20+$0xAC30];
	[tilespmem:s12+$0xAC50] =	vst v2;
	v4 =	vadd.s32 v0, v6  }
0xa6: {  	v2 =	vld [tilespmem:s20+$0xAC40];
	[tilespmem:s12+$0xAC60] =	vst v4;
	v6 =	vadd.s32 v1, v7  }
0xa7: {  	v7 =	vadd.s32 v0, v8;
	v4 =	vld [tilespmem:s20+$0xAC50];
	[tilespmem:s12+$0xAC70] =	vst v6;
	s12 =	smov.u32 s20  }
0xa8: {  	s13 =	sadd.s32 $0x200, s13;
	[tilespmem:s12+$0xAC00] =	vst v7;
	v7 =	vadd.s32 v1, v9;
	v6 =	vld [tilespmem:s12+$0xAC60]  }
0xa9: {  	[tilespmem:s12+$0xAC10] =	vst v7;
	v5 =	vadd.s32 v0, v5;
	v63 =	vld [tilespmem:s12+$0xAC70]  }
0xaa: {  	[tilespmem:s12+$0xAC20] =	vst v5;
	v3 =	vadd.s32 v1, v3  }
0xab: {  	[tilespmem:s12+$0xAC30] =	vst v3;
	v2 =	vadd.s32 v0, v2  }
0xac: {  	[tilespmem:s12+$0xAC40] =	vst v2;
	v2 =	vadd.s32 v1, v4  }
0xad: {  	[tilespmem:s12+$0xAC50] =	vst v2;
	v2 =	vadd.s32 v0, v6  }
0xae: {  	[tilespmem:s12+$0xAC60] =	vst v2;
	v2 =	vadd.s32 v1, v63  }
0xaf: {  	[tilespmem:s12+$0xAC70] =	vst v2  }
0xb0: {  	_ =	swait.ge [sflag:s26], $0x3400  }
0xb1: {  	[sflag:s26] =	ssyncset.done $0x0  }
0xb2: {  	[sflag:s26] =	ssyncadd.s32 $0xFFFFCC00  }
0xb3: {  	[bflag:$0x0] =	sbarrier.arrive $0xFFFF  }
0xb4: {  	[tilespmem:s29], [sflag:$0x1] =	stream.indirect.gather [spmem:s4], $0x80, s14, s28, $0xb8;
	[tilespmem:$0x1EC00] =	vst v63  }
0xb5: {  	s14 =	simm.s32 $0xAC40  }
0xb6: {  	[tilespmem:s31], [sflag:$0x1] =	stream.indirect.gather [spmem:s4], $0x80, s14, s28, $0xb8;
	[tilespmem:$0x1EC00] =	vst v63  }
0xb7: {  	s20 =	simm.s32 $0xAC80  }
0xb8: {  	[tilespmem:s3], [sflag:$0x1] =	stream.indirect.gather [spmem:s4], $0x80, s20, s28, $0xb8;
	[tilespmem:$0x1EC00] =	vst v63  }
0xb9: {  	s13 =	simm.s32 $0xACC0  }
0xba: {  	[tilespmem:s21], [sflag:$0x1] =	stream.indirect.gather [spmem:s4], $0x80, s13, s28, $0xb8;
	[tilespmem:$0x1EC00] =	vst v63  }
0xbb: {  	_ =	swait.ge [sflag:s30], $0x2000  }
0xbc: {  	[sflag:s30] =	ssyncset.done $0x0  }
0xbd: {  	s12 =	simm.s32 $0x0;
	[sflag:s30] =	ssyncadd.s32 $0xFFFFE000  }
0xbe: {  	[hbm4b:s11+s12] =	stream.linear.scatter [tilespmem:s29], [sflag:$0x2], $0x2000, $0x38;
	[tilespmem:$0x1EC00] =	vst v63  }
0xbf: {  	s13 =	simm.s32 $0xAD00  }
0xc0: {  	[tilespmem:s1], [sflag:$0x1] =	stream.indirect.gather [spmem:s4], $0x80, s13, s28, $0xb8;
	[tilespmem:$0x1EC00] =	vst v63  }
0xc1: {  	_ =	swait.ge [sflag:s30], $0x2000  }
0xc2: {  	[sflag:s30] =	ssyncset.done $0x0  }
0xc3: {  	s14 =	rddreg [dreg:$0x9];
	[sflag:s30] =	ssyncadd.s32 $0xFFFFE000  }
0xc4: {  	[hbm4b:s14+s12] =	stream.linear.scatter [tilespmem:s31], [sflag:$0x2], $0x2000, $0x38;
	[tilespmem:$0x1EC00] =	vst v63  }
0xc5: {  	s20 =	simm.s32 $0xAD40  }
0xc6: {  	[tilespmem:s0], [sflag:$0x1] =	stream.indirect.gather [spmem:s4], $0x80, s20, s28, $0xb8;
	[tilespmem:$0x1EC00] =	vst v63  }
0xc7: {  	_ =	swait.ge [sflag:s30], $0x2000  }
0xc8: {  	[sflag:s30] =	ssyncset.done $0x0  }
0xc9: {  	s14 =	rddreg [dreg:$0xa];
	[sflag:s30] =	ssyncadd.s32 $0xFFFFE000  }
0xca: {  	[hbm4b:s14+s12] =	stream.linear.scatter [tilespmem:s3], [sflag:$0x2], $0x2000, $0x38;
	[tilespmem:$0x1EC00] =	vst v63  }
0xcb: {  	s20 =	simm.s32 $0xAD80  }
0xcc: {  	[tilespmem:s2], [sflag:$0x1] =	stream.indirect.gather [spmem:s4], $0x80, s20, s28, $0xb8;
	[tilespmem:$0x1EC00] =	vst v63  }
0xcd: {  	_ =	swait.ge [sflag:s30], $0x2000  }
0xce: {  	[sflag:s30] =	ssyncset.done $0x0  }
0xcf: {  	s14 =	rddreg [dreg:$0xb];
	[sflag:s30] =	ssyncadd.s32 $0xFFFFE000  }
0xd0: {  	[hbm4b:s14+s12] =	stream.linear.scatter [tilespmem:s21], [sflag:$0x2], $0x2000, $0x38;
	[tilespmem:$0x1EC00] =	vst v63  }
0xd1: {  	s20 =	simm.s32 $0xADC0  }
0xd2: {  	[tilespmem:s6], [sflag:$0x1] =	stream.indirect.gather [spmem:s4], $0x80, s20, s28, $0xb8;
	[tilespmem:$0x1EC00] =	vst v63  }
0xd3: {  	_ =	swait.ge [sflag:s8], $0x2000  }
0xd4: {  	[sflag:s8] =	ssyncset.done $0x0  }
0xd5: {  	s13 =	simm.s32 $0xAE00;
	[sflag:s8] =	ssyncadd.s32 $0xFFFFE000  }
0xd6: {  	[tilespmem:s29], [sflag:$0x1] =	stream.indirect.gather [spmem:s4], $0x80, s13, s28, $0xb8;
	[tilespmem:$0x1EC00] =	vst v63  }
0xd7: {  	_ =	swait.ge [sflag:s30], $0x2000  }
0xd8: {  	s14 =	rddreg [dreg:$0x5]  }
0xd9: {  	[sflag:s30] =	ssyncset.done $0x0;
	s13 =	sadd.s32 $0x0, s14  }
0xda: {  	[sflag:s30] =	ssyncadd.s32 $0xFFFFE000;
	s12 =	sadd.s32 $0x1000, s13  }
0xdb: {  	[hbm4b:s12+s5] =	stream.linear.scatter [tilespmem:s1], [sflag:$0x2], $0x2000, $0x38;
	[tilespmem:$0x1EC00] =	vst v63  }
0xdc: {  	_ =	swait.ge [sflag:s8], $0x2000  }
0xdd: {  	[sflag:s8] =	ssyncset.done $0x0  }
0xde: {  	s20 =	simm.s32 $0xAE40;
	[sflag:s8] =	ssyncadd.s32 $0xFFFFE000  }
0xdf: {  	[tilespmem:s31], [sflag:$0x1] =	stream.indirect.gather [spmem:s4], $0x80, s20, s28, $0xb8;
	[tilespmem:$0x1EC00] =	vst v63  }
0xe0: {  	_ =	swait.ge [sflag:s30], $0x2000  }
0xe1: {  	[sflag:s30] =	ssyncset.done $0x0  }
0xe2: {  	s14 =	sadd.s32 $0x1400, s13;
	[sflag:s30] =	ssyncadd.s32 $0xFFFFE000  }
0xe3: {  	[hbm4b:s14+s5] =	stream.linear.scatter [tilespmem:s0], [sflag:$0x2], $0x2000, $0x38;
	[tilespmem:$0x1EC00] =	vst v63  }
0xe4: {  	_ =	swait.ge [sflag:s8], $0x2000  }
0xe5: {  	[sflag:s8] =	ssyncset.done $0x0  }
0xe6: {  	s20 =	simm.s32 $0xAE80;
	[sflag:s8] =	ssyncadd.s32 $0xFFFFE000  }
0xe7: {  	[tilespmem:s3], [sflag:$0x1] =	stream.indirect.gather [spmem:s4], $0x80, s20, s28, $0xb8;
	[tilespmem:$0x1EC00] =	vst v63  }
0xe8: {  	_ =	swait.ge [sflag:s30], $0x2000  }
0xe9: {  	[sflag:s30] =	ssyncset.done $0x0  }
0xea: {  	s14 =	sadd.s32 $0x1800, s13;
	[sflag:s30] =	ssyncadd.s32 $0xFFFFE000  }
0xeb: {  	[hbm4b:s14+s5] =	stream.linear.scatter [tilespmem:s2], [sflag:$0x2], $0x2000, $0x38;
	[tilespmem:$0x1EC00] =	vst v63  }
0xec: {  	_ =	swait.ge [sflag:s8], $0x2000  }
0xed: {  	[sflag:s8] =	ssyncset.done $0x0  }
0xee: {  	s20 =	simm.s32 $0xAEC0;
	[sflag:s8] =	ssyncadd.s32 $0xFFFFE000  }
0xef: {  	[tilespmem:s21], [sflag:$0x1] =	stream.indirect.gather [spmem:s4], $0x80, s20, s28, $0xb8;
	[tilespmem:$0x1EC00] =	vst v63  }
0xf0: {  	_ =	swait.ge [sflag:s30], $0x2000  }
0xf1: {  	[sflag:s30] =	ssyncset.done $0x0  }
0xf2: {  	s14 =	sadd.s32 $0x1C00, s13;
	[sflag:s30] =	ssyncadd.s32 $0xFFFFE000  }
0xf3: {  	[hbm4b:s14+s5] =	stream.linear.scatter [tilespmem:s6], [sflag:$0x2], $0x2000, $0x38;
	[tilespmem:$0x1EC00] =	vst v63  }
0xf4: {  	_ =	swait.ge [sflag:s8], $0x2000  }
0xf5: {  	[sflag:s8] =	ssyncset.done $0x0  }
0xf6: {  	s20 =	simm.s32 $0xAF00;
	[sflag:s8] =	ssyncadd.s32 $0xFFFFE000  }
0xf7: {  	[tilespmem:s1], [sflag:$0x1] =	stream.indirect.gather [spmem:s4], $0x80, s20, s28, $0xb8;
	[tilespmem:$0x1EC00] =	vst v63  }
0xf8: {  	_ =	swait.ge [sflag:s30], $0x2000  }
0xf9: {  	[sflag:s30] =	ssyncset.done $0x0  }
0xfa: {  	s14 =	sadd.s32 $0x2000, s13;
	[sflag:s30] =	ssyncadd.s32 $0xFFFFE000  }
0xfb: {  	[hbm4b:s14+s5] =	stream.linear.scatter [tilespmem:s29], [sflag:$0x2], $0x2000, $0x38;
	[tilespmem:$0x1EC00] =	vst v63  }
0xfc: {  	_ =	swait.ge [sflag:s8], $0x2000  }
0xfd: {  	[sflag:s8] =	ssyncset.done $0x0  }
0xfe: {  	s20 =	simm.s32 $0xAF40;
	[sflag:s8] =	ssyncadd.s32 $0xFFFFE000  }
0xff: {  	[tilespmem:s0], [sflag:$0x1] =	stream.indirect.gather [spmem:s4], $0x80, s20, s28, $0xb8;
	[tilespmem:$0x1EC00] =	vst v63  }
0x100: {  	_ =	swait.ge [sflag:s30], $0x2000  }
0x101: {  	[sflag:s30] =	ssyncset.done $0x0  }
0x102: {  	s14 =	sadd.s32 $0x2400, s13;
	[sflag:s30] =	ssyncadd.s32 $0xFFFFE000  }
0x103: {  	[hbm4b:s14+s5] =	stream.linear.scatter [tilespmem:s31], [sflag:$0x2], $0x2000, $0x38;
	[tilespmem:$0x1EC00] =	vst v63  }
0x104: {  	_ =	swait.ge [sflag:s8], $0x2000  }
0x105: {  	[sflag:s8] =	ssyncset.done $0x0  }
0x106: {  	s20 =	simm.s32 $0xAF80;
	[sflag:s8] =	ssyncadd.s32 $0xFFFFE000  }
0x107: {  	[tilespmem:s2], [sflag:$0x1] =	stream.indirect.gather [spmem:s4], $0x80, s20, s28, $0xb8;
	[tilespmem:$0x1EC00] =	vst v63  }
0x108: {  	_ =	swait.ge [sflag:s30], $0x2000  }
0x109: {  	[sflag:s30] =	ssyncset.done $0x0  }
0x10a: {  	s14 =	sadd.s32 $0x2800, s13;
	[sflag:s30] =	ssyncadd.s32 $0xFFFFE000  }
0x10b: {  	[hbm4b:s14+s5] =	stream.linear.scatter [tilespmem:s3], [sflag:$0x2], $0x2000, $0x38;
	[tilespmem:$0x1EC00] =	vst v63  }
0x10c: {  	_ =	swait.ge [sflag:s8], $0x2000  }
0x10d: {  	[sflag:s8] =	ssyncset.done $0x0  }
0x10e: {  	s20 =	simm.s32 $0xAFC0;
	[sflag:s8] =	ssyncadd.s32 $0xFFFFE000  }
0x10f: {  	[tilespmem:s6], [sflag:$0x1] =	stream.indirect.gather [spmem:s4], $0x80, s20, s28, $0xb8;
	[tilespmem:$0x1EC00] =	vst v63  }
0x110: {  	_ =	swait.ge [sflag:s30], $0x2000  }
0x111: {  	s12 =	simm.s32 $0x2000;
	[sflag:s30] =	ssyncset.done $0x0  }
0x112: {  	s20 =	sadd.s32 $0x2C00, s13;
	s13 =	simm.s32 $0xB000;
	[sflag:s30] =	ssyncadd.s32 $0xFFFFE000  }
.LBB2_8:
0x113: {  	[hbm4b:s20+s5] =	stream.linear.scatter [tilespmem:s21], [sflag:$0x2], $0x2000, $0x38;
	[tilespmem:$0x1EC00] =	vst v63  }
0x114: {  	_ =	swait.ge [sflag:s8], $0x2000  }
0x115: {  	[sflag:s8] =	ssyncset.done $0x0  }
0x116: {  	[sflag:s8] =	ssyncadd.s32 $0xFFFFE000  }
0x117: {  	[tilespmem:s29], [sflag:$0x1] =	stream.indirect.gather [spmem:s4], $0x80, s13, s28, $0xb8;
	[tilespmem:$0x1EC00] =	vst v63  }
0x118: {  	_ =	swait.ge [sflag:s30], $0x2000  }
0x119: {  	s20 =	smov.u32 s12;
	s14 =	rddreg [dreg:$0x5]  }
0x11a: {  	[sflag:s30] =	ssyncset.done $0x0;
	s20 =	sadd.s32 s20, s14  }
0x11b: {  	[sflag:s30] =	ssyncadd.s32 $0xFFFFE000;
	s14 =	sadd.s32 $0x1000, s20  }
0x11c: {  	[hbm4b:s14+s5] =	stream.linear.scatter [tilespmem:s1], [sflag:$0x2], $0x2000, $0x38;
	[tilespmem:$0x1EC00] =	vst v63  }
0x11d: {  	_ =	swait.ge [sflag:s8], $0x2000  }
0x11e: {  	[sflag:s8] =	ssyncset.done $0x0  }
0x11f: {  	s14 =	sadd.s32 $0x40, s13;
	[sflag:s8] =	ssyncadd.s32 $0xFFFFE000  }
0x120: {  	[tilespmem:s31], [sflag:$0x1] =	stream.indirect.gather [spmem:s4], $0x80, s14, s28, $0xb8;
	[tilespmem:$0x1EC00] =	vst v63  }
0x121: {  	_ =	swait.ge [sflag:s30], $0x2000  }
0x122: {  	[sflag:s30] =	ssyncset.done $0x0  }
0x123: {  	s14 =	sadd.s32 $0x1400, s20;
	[sflag:s30] =	ssyncadd.s32 $0xFFFFE000  }
0x124: {  	[hbm4b:s14+s5] =	stream.linear.scatter [tilespmem:s0], [sflag:$0x2], $0x2000, $0x38;
	[tilespmem:$0x1EC00] =	vst v63  }
0x125: {  	_ =	swait.ge [sflag:s8], $0x2000  }
0x126: {  	[sflag:s8] =	ssyncset.done $0x0  }
0x127: {  	s14 =	sadd.s32 $0x80, s13;
	[sflag:s8] =	ssyncadd.s32 $0xFFFFE000  }
0x128: {  	[tilespmem:s3], [sflag:$0x1] =	stream.indirect.gather [spmem:s4], $0x80, s14, s28, $0xb8;
	[tilespmem:$0x1EC00] =	vst v63  }
0x129: {  	_ =	swait.ge [sflag:s30], $0x2000  }
0x12a: {  	[sflag:s30] =	ssyncset.done $0x0  }
0x12b: {  	s14 =	sadd.s32 $0x1800, s20;
	[sflag:s30] =	ssyncadd.s32 $0xFFFFE000  }
0x12c: {  	[hbm4b:s14+s5] =	stream.linear.scatter [tilespmem:s2], [sflag:$0x2], $0x2000, $0x38;
	[tilespmem:$0x1EC00] =	vst v63  }
0x12d: {  	_ =	swait.ge [sflag:s8], $0x2000  }
0x12e: {  	[sflag:s8] =	ssyncset.done $0x0  }
0x12f: {  	s14 =	sadd.s32 $0xC0, s13;
	[sflag:s8] =	ssyncadd.s32 $0xFFFFE000  }
0x130: {  	[tilespmem:s21], [sflag:$0x1] =	stream.indirect.gather [spmem:s4], $0x80, s14, s28, $0xb8;
	[tilespmem:$0x1EC00] =	vst v63  }
0x131: {  	_ =	swait.ge [sflag:s30], $0x2000  }
0x132: {  	[sflag:s30] =	ssyncset.done $0x0  }
0x133: {  	s14 =	sadd.s32 $0x1C00, s20;
	[sflag:s30] =	ssyncadd.s32 $0xFFFFE000  }
0x134: {  	[hbm4b:s14+s5] =	stream.linear.scatter [tilespmem:s6], [sflag:$0x2], $0x2000, $0x38;
	[tilespmem:$0x1EC00] =	vst v63  }
0x135: {  	_ =	swait.ge [sflag:s8], $0x2000  }
0x136: {  	[sflag:s8] =	ssyncset.done $0x0  }
0x137: {  	s14 =	sadd.s32 $0x100, s13;
	[sflag:s8] =	ssyncadd.s32 $0xFFFFE000  }
0x138: {  	[tilespmem:s1], [sflag:$0x1] =	stream.indirect.gather [spmem:s4], $0x80, s14, s28, $0xb8;
	[tilespmem:$0x1EC00] =	vst v63  }
0x139: {  	_ =	swait.ge [sflag:s30], $0x2000  }
0x13a: {  	[sflag:s30] =	ssyncset.done $0x0  }
0x13b: {  	s14 =	sadd.s32 $0x2000, s20;
	[sflag:s30] =	ssyncadd.s32 $0xFFFFE000  }
0x13c: {  	[hbm4b:s14+s5] =	stream.linear.scatter [tilespmem:s29], [sflag:$0x2], $0x2000, $0x38;
	[tilespmem:$0x1EC00] =	vst v63  }
0x13d: {  	_ =	swait.ge [sflag:s8], $0x2000  }
0x13e: {  	[sflag:s8] =	ssyncset.done $0x0  }
0x13f: {  	s14 =	sadd.s32 $0x140, s13;
	[sflag:s8] =	ssyncadd.s32 $0xFFFFE000  }
0x140: {  	[tilespmem:s0], [sflag:$0x1] =	stream.indirect.gather [spmem:s4], $0x80, s14, s28, $0xb8;
	[tilespmem:$0x1EC00] =	vst v63  }
0x141: {  	_ =	swait.ge [sflag:s30], $0x2000  }
0x142: {  	[sflag:s30] =	ssyncset.done $0x0  }
0x143: {  	s14 =	sadd.s32 $0x2400, s20;
	[sflag:s30] =	ssyncadd.s32 $0xFFFFE000  }
0x144: {  	[hbm4b:s14+s5] =	stream.linear.scatter [tilespmem:s31], [sflag:$0x2], $0x2000, $0x38;
	[tilespmem:$0x1EC00] =	vst v63  }
0x145: {  	_ =	swait.ge [sflag:s8], $0x2000  }
0x146: {  	[sflag:s8] =	ssyncset.done $0x0  }
0x147: {  	s14 =	sadd.s32 $0x180, s13;
	[sflag:s8] =	ssyncadd.s32 $0xFFFFE000  }
0x148: {  	[tilespmem:s2], [sflag:$0x1] =	stream.indirect.gather [spmem:s4], $0x80, s14, s28, $0xb8;
	[tilespmem:$0x1EC00] =	vst v63  }
0x149: {  	_ =	swait.ge [sflag:s30], $0x2000  }
0x14a: {  	[sflag:s30] =	ssyncset.done $0x0  }
0x14b: {  	s14 =	sadd.s32 $0x2800, s20;
	[sflag:s30] =	ssyncadd.s32 $0xFFFFE000  }
0x14c: {  	[hbm4b:s14+s5] =	stream.linear.scatter [tilespmem:s3], [sflag:$0x2], $0x2000, $0x38;
	[tilespmem:$0x1EC00] =	vst v63  }
0x14d: {  	_ =	swait.ge [sflag:s8], $0x2000  }
0x14e: {  	p0 =	sne.s32 s12, $0x3C000;
	[sflag:s8] =	ssyncset.done $0x0  }
.Ltmp3:
0x14f: {  	s14 =	sadd.s32 $0x1C0, s13;
	[sflag:s8] =	ssyncadd.s32 $0xFFFFE000;
	(pc) =	sbr.rel @p0 .LBB2_8-.Ltmp3, $4  }
0x150: {  	[tilespmem:s6], [sflag:$0x1] =	stream.indirect.gather [spmem:s4], $0x80, s14, s28, $0xb8;
	[tilespmem:$0x1EC00] =	vst v63  }
0x151: {  	_ =	swait.ge [sflag:s30], $0x2000  }
0x152: {  	s12 =	sadd.s32 $0x2000, s12;
	[sflag:s30] =	ssyncset.done $0x0  }
0x153: {  	s20 =	sadd.s32 $0x2C00, s20;
	s13 =	sadd.s32 $0x200, s13;
	[sflag:s30] =	ssyncadd.s32 $0xFFFFE000  }
0x154: {  	[hbm4b:s20+s5] =	stream.linear.scatter [tilespmem:s21], [sflag:$0x2], $0x2000, $0x38;
	[tilespmem:$0x1EC00] =	vst v63  }
0x155: {  	_ =	swait.ge [sflag:s30], $0x2000  }
0x156: {  	[sflag:s30] =	ssyncset.done $0x0  }
0x157: {  	s12 =	rddreg [dreg:$0xc];
	[sflag:s30] =	ssyncadd.s32 $0xFFFFE000  }
0x158: {  	[hbm4b:s12+s5] =	stream.linear.scatter [tilespmem:s1], [sflag:$0x2], $0x2000, $0x38;
	[tilespmem:$0x1EC00] =	vst v63  }
0x159: {  	_ =	swait.ge [sflag:s8], $0x2000  }
0x15a: {  	[sflag:s8] =	ssyncset.done $0x0  }
0x15b: {  	[sflag:s8] =	ssyncadd.s32 $0xFFFFE000  }
0x15c: {  	_ =	swait.ge [sflag:s30], $0x2000  }
0x15d: {  	[sflag:s30] =	ssyncset.done $0x0  }
0x15e: {  	[sflag:s30] =	ssyncadd.s32 $0xFFFFE000  }
0x15f: {  	[hbm4b:s16+s5] =	stream.linear.scatter [tilespmem:s0], [sflag:$0x2], $0x2000, $0x38;
	[tilespmem:$0x1EC00] =	vst v63  }
0x160: {  	_ =	swait.ge [sflag:s8], $0x2000  }
0x161: {  	[sflag:s8] =	ssyncset.done $0x0  }
0x162: {  	[sflag:s8] =	ssyncadd.s32 $0xFFFFE000  }
0x163: {  	_ =	swait.ge [sflag:s30], $0x2000  }
0x164: {  	[sflag:s30] =	ssyncset.done $0x0  }
0x165: {  	[sflag:s30] =	ssyncadd.s32 $0xFFFFE000  }
0x166: {  	[hbm4b:s17+s5] =	stream.linear.scatter [tilespmem:s2], [sflag:$0x2], $0x2000, $0x38;
	[tilespmem:$0x1EC00] =	vst v63  }
0x167: {  	_ =	swait.ge [sflag:s8], $0x2000  }
0x168: {  	[sflag:s8] =	ssyncset.done $0x0  }
0x169: {  	[sflag:s8] =	ssyncadd.s32 $0xFFFFE000  }
0x16a: {  	_ =	swait.ge [sflag:s30], $0x2000  }
0x16b: {  	[sflag:s30] =	ssyncset.done $0x0  }
0x16c: {  	[sflag:s30] =	ssyncadd.s32 $0xFFFFE000  }
0x16d: {  	[hbm4b:s18+s5] =	stream.linear.scatter [tilespmem:s6], [sflag:$0x2], $0x2000, $0x38;
	[tilespmem:$0x1EC00] =	vst v63  }
0x16e: {  	_ =	swait.ge [sflag:s8], $0x2000  }
0x16f: {  	[sflag:s8] =	ssyncset.done $0x0  }
0x170: {  	[sflag:s8] =	ssyncadd.s32 $0xFFFFE000  }
0x171: {  	_ =	swait.ge [sflag:s8], $0x2000  }
0x172: {  	[sflag:s8] =	ssyncset.done $0x0  }
0x173: {  	[sflag:s8] =	ssyncadd.s32 $0xFFFFE000  }
0x174: {  	_ =	swait.ge [sflag:s8], $0x2000  }
0x175: {  	[sflag:s8] =	ssyncset.done $0x0  }
0x176: {  	s10 =	sadd.s32 $0x1, s10;
	[sflag:s8] =	ssyncadd.s32 $0xFFFFE000  }
0x177: {  	p0 =	sne.s32 s10, s19;
	_ =	swait.ge [sflag:s8], $0x2000  }
.Ltmp4:
0x178: {  	[sflag:s8] =	ssyncset.done $0x0;
	(pc) =	sbr.rel @p0 .LBB2_1-.Ltmp4, $4  }
0x179: {  	[sflag:s8] =	ssyncadd.s32 $0xFFFFE000  }
0x17a: {  	_ =	swait.ge [sflag:s8], $0x2000  }
0x17b: {  	[sflag:s8] =	ssyncset.done $0x0  }
0x17c: {  	s14 =	simm.s32 $0xAC00;
	[sflag:s8] =	ssyncadd.s32 $0xFFFFE000  }
0x17d: {  	_ =	sfence.sel $0x180000  }
0x17e: {  	[bflag:$0x0] =	sbarrier.arrive $0xFFFF  }
0x17f: {  	_ =	strace $0x90000047  }
0x180: {  	s0 =	stileid.u32;
	[bflag:$0x2] =	sbarrier.arrive $0xFFFF  }
0x181: {  	p0 =	sne.s32 s0, $0x0;
	s0 =	rddreg [dreg:$0x4]  }
0x182: {  	s0 =	sadd.s32 @!p0 $0x100000, s0  }
0x183: {  	[sflag:s0] =	ssyncadd.tile.s32 @!p0 $0x1;
	_ =	shalt  }
.Lfunc_end2:
_tile_overlayer_lowered:
.L_overlay_start_2:
0x184: {  	(tag) =	ssettag $0x2  }
0x185: {  	s0 =	rddreg [dreg:$0x0];
	s2 =	stileid.u32  }
0x186: {  	s1 =	rddreg [dreg:$0x1];
	p0 =	sne.s32 s2, $0x0  }
0x187: {  	s3 =	rddreg [dreg:$0x2];
	[bflag:$0x3] =	sbarrier.arrive $0xFFFF;
	s2 =	simm.s32 @!p0 $0x1C06  }
0x188: {  	[timem:s3], [sflag:s2] =	dma.local @!p0 [hbm:s0], s1  }
0x189: {  	s0 =	simm.s32 @!p0 $0x6  }
0x18a: {  	_ =	swait.ge @!p0 [sflag:s0], s1  }
0x18b: {  	s1 =	ssub.s32 @!p0 $0x0, s1;
	[sflag:s0] =	ssyncset.done @!p0 $0x0  }
0x18c: {  	[sflag:s0] =	ssyncadd.s32 @!p0 s1  }
0x18d: {  	[bflag:$0x3] =	sbarrier.arrive $0xFFFF  }
0x18e: {  	_ =	shalt  }

</sc_bundles>
